<compile_context>
chip_gen: v7x
topology: tpu7x:2x2x1
jax: 0.10.2.dev20260603
libtpu: 0.0.44.dev20260713+nightly
codegen_flags: <defaults>
</compile_context>

<pallas_src>
import functools

import jax
import jax.numpy as jnp
from jax import lax
from jax.experimental import pallas as pl
from jax.experimental.pallas import tpu as pltpu
from jax.experimental.pallas import tpu_sc as plsc

_NC = 2
_NS = 16
_NW = _NC * _NS
_CH = 128
_NG = 128
_BN = 1000


def _ceil_to(a, m):
    return (a + m - 1) // m * m


@functools.lru_cache(None)
def _make_deg(nck, npad):
    rpt = npad // _NS
    mesh = plsc.VectorSubcoreMesh(core_axis_name="c", subcore_axis_name="s")

    def body(eidx_hbm, zo_hbm, out_hbm, dstv, onesv, acc, sem):
        c = lax.axis_index("c")
        s = lax.axis_index("s")
        wid = c * _NS + s
        pltpu.sync_copy(zo_hbm.at[pl.ds(s * rpt, rpt), :],
                        acc.at[pl.ds(s * rpt, rpt), :])
        pltpu.sync_copy(zo_hbm.at[pl.ds(npad, _CH), :], onesv)
        pltpu.sync_copy(eidx_hbm.at[1, pl.ds(wid * nck, nck), :], dstv)
        plsc.subcore_barrier()

        def fire(j, carry):
            pltpu.async_copy(onesv, acc.at[dstv.at[j]], sem, add=True)
            return carry

        lax.fori_loop(0, nck, fire, 0)

        def drain(j, carry):
            pltpu.make_async_copy(onesv, acc.at[dstv.at[j]], sem).wait()
            return carry

        lax.fori_loop(0, nck, drain, 0)
        plsc.subcore_barrier()
        pltpu.sync_copy(acc.at[pl.ds(s * rpt, rpt), :],
                        out_hbm.at[c, pl.ds(s * rpt, rpt), :])

    return pl.kernel(
        body,
        out_type=jax.ShapeDtypeStruct((_NC, npad, 16), jnp.float32),
        mesh=mesh,
        scratch_types=[
            pltpu.VMEM((nck, _CH), jnp.int32),
            pltpu.VMEM((_CH, 16), jnp.float32),
            pltpu.VMEM_SHARED((npad, 16), jnp.float32),
            pltpu.SemaphoreType.DMA,
        ],
        compiler_params=pltpu.CompilerParams(use_tc_tiling_on_sc=False),
    )


@functools.lru_cache(None)
def _make_agg(n, d, nck, npad):
    rpt = npad // _NS
    mesh = plsc.VectorSubcoreMesh(core_axis_name="c", subcore_axis_name="s")
    assert nck % 4 == 0 and nck >= 8

    def body(h_hbm, eidx_hbm, zs_hbm, out_hbm, srcv, dstv,
             r0, r1, r2, r3, acc, g0, g1, g2, g3, s0, s1, s2, s3):
        c = lax.axis_index("c")
        s = lax.axis_index("s")
        wid = c * _NS + s
        rows = (r0, r1, r2, r3)
        gsem = (g0, g1, g2, g3)
        ssem = (s0, s1, s2, s3)
        start = jnp.minimum(s * rpt, n - rpt)

        @pl.when(c == 0)
        def _():
            pltpu.sync_copy(h_hbm.at[pl.ds(start, rpt), :],
                            acc.at[pl.ds(start, rpt), :])

        @pl.when(c == 1)
        def _():
            pltpu.sync_copy(zs_hbm.at[pl.ds(0, rpt), :],
                            acc.at[pl.ds(s * rpt, rpt), :])
        pltpu.sync_copy(eidx_hbm.at[0, pl.ds(wid * nck, nck), :], srcv)
        pltpu.sync_copy(eidx_hbm.at[1, pl.ds(wid * nck, nck), :], dstv)
        plsc.subcore_barrier()

        def g_start(j, p):
            pltpu.async_copy(h_hbm.at[srcv.at[j]], rows[p], gsem[p])

        def g_wait(j, p):
            pltpu.make_async_copy(h_hbm.at[srcv.at[j]], rows[p],
                                  gsem[p]).wait()

        def s_start(j, p):
            pltpu.async_copy(rows[p], acc.at[dstv.at[j]], ssem[p], add=True)

        def s_wait(j, p):
            pltpu.make_async_copy(rows[p], acc.at[dstv.at[j]],
                                  ssem[p]).wait()

        for p in range(4):
            g_start(p, p)
        g_wait(0, 0)
        s_start(0, 0)
        g_wait(1, 1)
        s_start(1, 1)

        def core(jj, carry):
            for p in range(4):
                j = 4 * jj + p
                s_wait(j - 4, p)
                g_start(j, p)
                g_wait(j - 2, (p + 2) % 4)
                s_start(j - 2, (p + 2) % 4)
            return carry

        lax.fori_loop(1, nck // 4, core, 0)
        g_wait(nck - 2, 2)
        s_start(nck - 2, 2)
        g_wait(nck - 1, 3)
        s_start(nck - 1, 3)
        s_wait(nck - 4, 0)
        s_wait(nck - 3, 1)
        s_wait(nck - 2, 2)
        s_wait(nck - 1, 3)
        plsc.subcore_barrier()
        pltpu.sync_copy(acc.at[pl.ds(s * rpt, rpt), :],
                        out_hbm.at[c, pl.ds(s * rpt, rpt), :])

    return pl.kernel(
        body,
        out_type=jax.ShapeDtypeStruct((_NC, npad, d), jnp.float32),
        mesh=mesh,
        scratch_types=[
            pltpu.VMEM((nck, _CH), jnp.int32),
            pltpu.VMEM((nck, _CH), jnp.int32),
            pltpu.VMEM((_CH, d), jnp.float32),
            pltpu.VMEM((_CH, d), jnp.float32),
            pltpu.VMEM((_CH, d), jnp.float32),
            pltpu.VMEM((_CH, d), jnp.float32),
            pltpu.VMEM_SHARED((npad, d), jnp.float32),
            pltpu.SemaphoreType.DMA,
            pltpu.SemaphoreType.DMA,
            pltpu.SemaphoreType.DMA,
            pltpu.SemaphoreType.DMA,
            pltpu.SemaphoreType.DMA,
            pltpu.SemaphoreType.DMA,
            pltpu.SemaphoreType.DMA,
            pltpu.SemaphoreType.DMA,
        ],
        compiler_params=pltpu.CompilerParams(use_tc_tiling_on_sc=False),
    )


def _matmul_tc(x, w):
    n, din = x.shape
    hid = w.shape[1]
    nblk = n // _BN

    def body(x_ref, w_ref, o_ref):
        o_ref[...] = jnp.dot(x_ref[...], w_ref[...],
                             preferred_element_type=jnp.float32)

    return pl.pallas_call(
        body,
        grid=(nblk,),
        in_specs=[
            pl.BlockSpec((_BN, din), lambda i: (i, 0)),
            pl.BlockSpec((din, hid), lambda i: (0, 0)),
        ],
        out_specs=pl.BlockSpec((_BN, hid), lambda i: (i, 0)),
        out_shape=jax.ShapeDtypeStruct((n, hid), jnp.float32),
    )(x, w)


def _scale_tc(h, dg):
    n, hid = h.shape
    nblk = n // _BN

    def body(h_ref, dg_ref, o_ref):
        dinv = lax.rsqrt(dg_ref[...] + 1.0)
        o_ref[...] = h_ref[...] * dinv

    return pl.pallas_call(
        body,
        grid=(nblk,),
        in_specs=[
            pl.BlockSpec((_BN, hid), lambda i: (i, 0)),
            pl.BlockSpec((_BN, 1), lambda i: (i, 0)),
        ],
        out_specs=pl.BlockSpec((_BN, hid), lambda i: (i, 0)),
        out_shape=jax.ShapeDtypeStruct((n, hid), jnp.float32),
    )(h, dg)


def _layer2_tc(ag, dg, b, w):
    n = dg.shape[0]
    hid = ag.shape[2]
    hid2 = w.shape[1]
    nblk = n // _BN

    def body(ag_ref, dg_ref, b_ref, w_ref, o_ref):
        dinv = lax.rsqrt(dg_ref[...] + 1.0)
        agv = ag_ref[...]
        pre = (agv[0] + agv[1]) * dinv + b_ref[...]
        pre = jnp.maximum(pre, 0.0)
        o_ref[...] = jnp.dot(pre, w_ref[...],
                             preferred_element_type=jnp.float32) * dinv

    return pl.pallas_call(
        body,
        grid=(nblk,),
        in_specs=[
            pl.BlockSpec((_NC, _BN, hid), lambda i: (0, i, 0)),
            pl.BlockSpec((_BN, 1), lambda i: (i, 0)),
            pl.BlockSpec((1, hid), lambda i: (0, 0)),
            pl.BlockSpec((hid, hid2), lambda i: (0, 0)),
        ],
        out_specs=pl.BlockSpec((_BN, hid2), lambda i: (i, 0)),
        out_shape=jax.ShapeDtypeStruct((n, hid2), jnp.float32),
    )(ag, dg, b, w)


def _final_tc(ag, dg, b, wfct, bfc, batch):
    n = dg.shape[0]
    hid = ag.shape[2]
    nblk = n // _BN

    def body(ag_ref, dg_ref, b_ref, wfct_ref, bfc_ref, batch_ref,
             o_ref, sacc, cacc):
        i = pl.program_id(0)

        @pl.when(i == 0)
        def _():
            sacc[...] = jnp.zeros_like(sacc)
            cacc[...] = jnp.zeros_like(cacc)

        dinv = lax.rsqrt(dg_ref[...] + 1.0)
        agv = ag_ref[...]
        pre = (agv[0] + agv[1]) * dinv + b_ref[...]
        pre = jnp.maximum(pre, 0.0)
        y = jnp.sum(pre * wfct_ref[...], axis=1, keepdims=True) + bfc_ref[...]
        gids = lax.broadcasted_iota(jnp.int32, (_BN, _NG), 1)
        m = (batch_ref[...] == gids).astype(jnp.float32)
        sacc[...] += jnp.sum(m * y, axis=0)[None, :]
        cacc[...] += jnp.sum(m, axis=0)[None, :]

        @pl.when(i == nblk - 1)
        def _():
            o_ref[...] = sacc[...] / jnp.maximum(cacc[...], 1.0)

    return pl.pallas_call(
        body,
        grid=(nblk,),
        in_specs=[
            pl.BlockSpec((_NC, _BN, hid), lambda i: (0, i, 0)),
            pl.BlockSpec((_BN, 1), lambda i: (i, 0)),
            pl.BlockSpec((1, hid), lambda i: (0, 0)),
            pl.BlockSpec((1, hid), lambda i: (0, 0)),
            pl.BlockSpec((1, 1), lambda i: (0, 0)),
            pl.BlockSpec((_BN, 1), lambda i: (i, 0)),
        ],
        out_specs=pl.BlockSpec((1, _NG), lambda i: (0, 0)),
        out_shape=jax.ShapeDtypeStruct((1, _NG), jnp.float32),
        scratch_shapes=[
            pltpu.VMEM((1, _NG), jnp.float32),
            pltpu.VMEM((1, _NG), jnp.float32),
        ],
    )(ag, dg, b, wfct, bfc, batch)


def kernel(x, edge_index, batch, W1, b1, W2, b2, Wfc, bfc):
    n, _ = x.shape
    hid = W1.shape[1]
    e = edge_index.shape[1]
    npad = _ceil_to((n + _NS - 1) // _NS, 8) * _NS
    if npad == n:
        npad += 8 * _NS
    ec = _ceil_to(e, _CH)
    nrows = _ceil_to(ec // _CH, _NW * 4)
    nck = nrows // _NW

    pad_e = nrows * _CH - e
    if pad_e:
        ar = jnp.arange(pad_e, dtype=jnp.int32)
        pad = jnp.stack([ar % n, n + ar % (npad - n)])
        eidx = jnp.concatenate([edge_index, pad.reshape(2, pad_e)], axis=1)
    else:
        eidx = edge_index
    eidx = eidx.reshape(2, nrows, _CH)

    zo = jnp.concatenate([jnp.zeros((npad, 16), jnp.float32),
                          jnp.ones((_CH, 16), jnp.float32)])
    zs = jnp.zeros((npad // _NS, hid), jnp.float32)
    degp = _make_deg(nck, npad)(eidx, zo)
    dg = (degp[0, :, 0] + degp[1, :, 0]).reshape(npad, 1)[:n]

    h1u = _matmul_tc(x, W1)
    h1 = _scale_tc(h1u, dg)
    ag1 = _make_agg(n, hid, nck, npad)(h1, eidx, zs)
    h2 = _layer2_tc(ag1, dg, b1.reshape(1, hid), W2)
    ag2 = _make_agg(n, hid, nck, npad)(h2, eidx, zs)
    pooled = _final_tc(ag2, dg, b2.reshape(1, hid),
                       Wfc.reshape(1, hid), bfc.reshape(1, 1),
                       batch.reshape(n, 1))
    return pooled.reshape(_NG, 1)

# --- scband reference (transcript-rebuilt; emitter-appended) ---
"""Pipeline reference for scband-prgnn-56049323212915 (READ-ONLY COPY).

The authoritative reference and input builder live on the scoring server;
editing this copy changes nothing except your own understanding.
"""

import jax, jax.numpy as jnp
import numpy as np

N = 10000
E = 320000
D_IN = 128
HID = 64
N_GRAPHS = 128


def setup_inputs(seed: int = 0) -> dict:
    key = jax.random.key(seed)
    ks = jax.random.split(key, 10)
    x = jax.random.normal(ks[0], (N, D_IN), dtype=jnp.float32)
    edge_index = jax.random.randint(ks[1], (2, E), 0, N, dtype=jnp.int32)
    batch = jnp.sort(jax.random.randint(ks[2], (N,), 0, N_GRAPHS, dtype=jnp.int32))
    W1 = jax.random.normal(ks[3], (D_IN, HID), dtype=jnp.float32) * (1.0 / np.sqrt(D_IN))
    b1 = jnp.zeros((HID,), dtype=jnp.float32)
    W2 = jax.random.normal(ks[4], (HID, HID), dtype=jnp.float32) * (1.0 / np.sqrt(HID))
    b2 = jnp.zeros((HID,), dtype=jnp.float32)
    Wfc = jax.random.normal(ks[5], (HID, 1), dtype=jnp.float32) * (1.0 / np.sqrt(HID))
    bfc = jnp.zeros((1,), dtype=jnp.float32)
    return {"x": x, "edge_index": edge_index, "batch": batch,
            "W1": W1, "b1": b1, "W2": W2, "b2": b2, "Wfc": Wfc, "bfc": bfc}


def _gcn_conv(x, edge_index, W, b):
    # PyG GCNConv: add self-loops, symmetric normalization, linear transform, scatter-add aggregate at dst
    src = edge_index[0]
    dst = edge_index[1]
    loop = jnp.arange(N, dtype=src.dtype)
    src = jnp.concatenate([src, loop])
    dst = jnp.concatenate([dst, loop])
    deg = jnp.zeros((N,), dtype=x.dtype).at[dst].add(1.0)
    dinv = jnp.where(deg > 0, jax.lax.rsqrt(deg), 0.0)
    norm = dinv[src] * dinv[dst]
    h = x @ W
    msg = h[src] * norm[:, None]
    out = jnp.zeros((N, W.shape[1]), dtype=x.dtype).at[dst].add(msg)
    return out + b


def _global_mean_pool(h, batch):
    sums = jax.ops.segment_sum(h, batch, num_segments=N_GRAPHS)
    cnt = jax.ops.segment_sum(jnp.ones((h.shape[0],), dtype=h.dtype), batch, num_segments=N_GRAPHS)
    return sums / jnp.maximum(cnt, 1.0)[:, None]


def reference(x, edge_index, batch, W1, b1, W2, b2, Wfc, bfc):
    x = x.astype(jnp.float32)
    h = jax.nn.relu(_gcn_conv(x, edge_index, W1, b1))
    h = jax.nn.relu(_gcn_conv(h, edge_index, W2, b2))
    h = h @ Wfc + bfc
    out = _global_mean_pool(h, batch)
    return out

if __name__ == "__main__":
    import jax
    _d = setup_inputs()
    print(jax.jit(kernel)(*tuple(_d.values())))

</pallas_src>

<mosaic_0001>
#map = affine_map<(d0, d1) -> (0, 0, 0)>
#map1 = affine_map<(d0, d1) -> (0, 0)>
module attributes {stable_mosaic.version = 14 : i64} {
  func.func @body(%arg0: i32, %arg1: i32, %arg2: memref<2x2560x128xi32, #tpu.memory_space<hbm>>, %arg3: memref<10240x16xf32, #tpu.memory_space<hbm>>, %arg4: memref<2x10112x16xf32, #tpu.memory_space<hbm>>, %arg5: memref<80x128xi32, #tpu.memory_space<vmem>>, %arg6: memref<128x16xf32, #tpu.memory_space<vmem>>, %arg7: memref<10112x16xf32, #tpu.memory_space<vmem_shared>>, %arg8: memref<!tpu.dma_semaphore, #tpu.memory_space<semaphore_mem>>) attributes {dimension_semantics = [#tpu.dimension_semantics<core_parallel>, #tpu.dimension_semantics<subcore_parallel>], iteration_bounds = array<i64: 2, 16>, scalar_prefetch = 0 : i64, scratch_operands = 4 : i64, tpu.core_type = #tpu.core_type<sc_vector_subcore>, window_params = [{transform_indices = #map}, {transform_indices = #map1}, {transform_indices = #map}]} {
    %mul3A = arith.constant 16 : i32
    %mul3A_0 = arith.muli %arg0, %mul3A : i32
    %add3A = arith.addi %mul3A_0, %arg1 : i32
    %mul3A_1 = arith.constant 632 : i32
    %mul3A_2 = arith.muli %arg1, %mul3A_1 : i32
    %mul3A_3 = arith.constant 632 : i32
    %mul3A_4 = arith.muli %arg1, %mul3A_3 : i32
    "tpu.region"() ({
      %run_scoped3A_23 = tpu.sem_alloc : memref<!tpu.dma_semaphore, #tpu.memory_space<semaphore_mem>>
      %dma_start3A = arith.constant 0 : i32
      %dma_start3A_24 = tpu.memref_slice %arg7[%mul3A_4, %dma_start3A] : memref<10112x16xf32, #tpu.memory_space<vmem_shared>> -> memref<632x16xf32, #tpu.memory_space<vmem_shared>>
      %dma_start3A_25 = arith.constant 0 : i32
      %dma_start3A_26 = tpu.memref_slice %arg3[%mul3A_2, %dma_start3A_25] : memref<10240x16xf32, #tpu.memory_space<hbm>> -> memref<632x16xf32, #tpu.memory_space<hbm>>
      tpu.enqueue_dma source(%dma_start3A_26 : memref<632x16xf32, #tpu.memory_space<hbm>>) target(%dma_start3A_24 : memref<632x16xf32, #tpu.memory_space<vmem_shared>>) target_semaphore(%run_scoped3A_23 : memref<!tpu.dma_semaphore, #tpu.memory_space<semaphore_mem>>)
      %dma_wait3A = arith.constant 0 : i32
      %dma_wait3A_27 = tpu.memref_slice %arg7[%mul3A_4, %dma_wait3A] : memref<10112x16xf32, #tpu.memory_space<vmem_shared>> -> memref<632x16xf32, #tpu.memory_space<vmem_shared>>
      %dma_wait3A_28 = arith.constant 0 : i32
      %dma_wait3A_29 = tpu.memref_slice %arg3[%mul3A_2, %dma_wait3A_28] : memref<10240x16xf32, #tpu.memory_space<hbm>> -> memref<632x16xf32, #tpu.memory_space<hbm>>
      tpu.wait_dma2 semaphore(%run_scoped3A_23 : memref<!tpu.dma_semaphore, #tpu.memory_space<semaphore_mem>>) src(%dma_wait3A_29 : memref<632x16xf32, #tpu.memory_space<hbm>>) dst(%dma_wait3A_27 : memref<632x16xf32, #tpu.memory_space<vmem_shared>>)
      tpu.yield
    }) : () -> ()
    "tpu.region"() ({
      %run_scoped3A_23 = tpu.sem_alloc : memref<!tpu.dma_semaphore, #tpu.memory_space<semaphore_mem>>
      %dma_start3A = arith.constant 10112 : i32
      %dma_start3A_24 = arith.constant 0 : i32
      %dma_start3A_25 = tpu.memref_slice %arg3[%dma_start3A, %dma_start3A_24] : memref<10240x16xf32, #tpu.memory_space<hbm>> -> memref<128x16xf32, #tpu.memory_space<hbm>>
      %dma_start3A_26 = arith.constant 10112 : i32
      %dma_start3A_27 = arith.constant 0 : i32
      %dma_start3A_28 = tpu.memref_slice %arg3[%dma_start3A_26, %dma_start3A_27] : memref<10240x16xf32, #tpu.memory_space<hbm>> -> memref<128x16xf32, #tpu.memory_space<hbm>>
      tpu.enqueue_dma source(%dma_start3A_28 : memref<128x16xf32, #tpu.memory_space<hbm>>) target(%arg6 : memref<128x16xf32, #tpu.memory_space<vmem>>) target_semaphore(%run_scoped3A_23 : memref<!tpu.dma_semaphore, #tpu.memory_space<semaphore_mem>>)
      %dma_wait3A = arith.constant 10112 : i32
      %dma_wait3A_29 = arith.constant 0 : i32
      %dma_wait3A_30 = tpu.memref_slice %arg3[%dma_wait3A, %dma_wait3A_29] : memref<10240x16xf32, #tpu.memory_space<hbm>> -> memref<128x16xf32, #tpu.memory_space<hbm>>
      %dma_wait3A_31 = arith.constant 10112 : i32
      %dma_wait3A_32 = arith.constant 0 : i32
      %dma_wait3A_33 = tpu.memref_slice %arg3[%dma_wait3A_31, %dma_wait3A_32] : memref<10240x16xf32, #tpu.memory_space<hbm>> -> memref<128x16xf32, #tpu.memory_space<hbm>>
      tpu.wait_dma2 semaphore(%run_scoped3A_23 : memref<!tpu.dma_semaphore, #tpu.memory_space<semaphore_mem>>) src(%dma_wait3A_33 : memref<128x16xf32, #tpu.memory_space<hbm>>) dst(%arg6 : memref<128x16xf32, #tpu.memory_space<vmem>>)
      tpu.yield
    }) : () -> ()
    %mul3A_5 = arith.constant 80 : i32
    %mul3A_6 = arith.muli %add3A, %mul3A_5 : i32
    %run_scoped3A = arith.constant 1 : i32
    "tpu.region"() ({
      %run_scoped3A_23 = tpu.sem_alloc : memref<!tpu.dma_semaphore, #tpu.memory_space<semaphore_mem>>
      %dma_start3A = arith.constant 0 : i32
      %dma_start3A_24 = tpu.memref_slice %arg2[%run_scoped3A, %mul3A_6, %dma_start3A] : memref<2x2560x128xi32, #tpu.memory_space<hbm>> -> memref<1x80x128xi32, #tpu.memory_space<hbm>>
      %dma_start3A_25 = tpu.memref_squeeze %dma_start3A_24 : memref<1x80x128xi32, #tpu.memory_space<hbm>> -> memref<80x128xi32, #tpu.memory_space<hbm>>
      %dma_start3A_26 = arith.constant 0 : i32
      %dma_start3A_27 = tpu.memref_slice %arg2[%run_scoped3A, %mul3A_6, %dma_start3A_26] : memref<2x2560x128xi32, #tpu.memory_space<hbm>> -> memref<1x80x128xi32, #tpu.memory_space<hbm>>
      %dma_start3A_28 = tpu.memref_squeeze %dma_start3A_27 : memref<1x80x128xi32, #tpu.memory_space<hbm>> -> memref<80x128xi32, #tpu.memory_space<hbm>>
      tpu.enqueue_dma source(%dma_start3A_28 : memref<80x128xi32, #tpu.memory_space<hbm>>) target(%arg5 : memref<80x128xi32, #tpu.memory_space<vmem>>) target_semaphore(%run_scoped3A_23 : memref<!tpu.dma_semaphore, #tpu.memory_space<semaphore_mem>>)
      %dma_wait3A = arith.constant 0 : i32
      %dma_wait3A_29 = tpu.memref_slice %arg2[%run_scoped3A, %mul3A_6, %dma_wait3A] : memref<2x2560x128xi32, #tpu.memory_space<hbm>> -> memref<1x80x128xi32, #tpu.memory_space<hbm>>
      %dma_wait3A_30 = tpu.memref_squeeze %dma_wait3A_29 : memref<1x80x128xi32, #tpu.memory_space<hbm>> -> memref<80x128xi32, #tpu.memory_space<hbm>>
      %dma_wait3A_31 = arith.constant 0 : i32
      %dma_wait3A_32 = tpu.memref_slice %arg2[%run_scoped3A, %mul3A_6, %dma_wait3A_31] : memref<2x2560x128xi32, #tpu.memory_space<hbm>> -> memref<1x80x128xi32, #tpu.memory_space<hbm>>
      %dma_wait3A_33 = tpu.memref_squeeze %dma_wait3A_32 : memref<1x80x128xi32, #tpu.memory_space<hbm>> -> memref<80x128xi32, #tpu.memory_space<hbm>>
      tpu.wait_dma2 semaphore(%run_scoped3A_23 : memref<!tpu.dma_semaphore, #tpu.memory_space<semaphore_mem>>) src(%dma_wait3A_33 : memref<80x128xi32, #tpu.memory_space<hbm>>) dst(%arg5 : memref<80x128xi32, #tpu.memory_space<vmem>>)
      tpu.yield
    }) : () -> ()
    %barrier3A = arith.constant 0 : index
    tpu.barrier barrier_id(%barrier3A)
    %scan3A = arith.constant 0 : i32
    %scan3A_7 = arith.constant 0 : i32
    %scan3A_8 = arith.constant 80 : i32
    %scan3A_9 = arith.addi %scan3A_7, %scan3A_8 : i32
    %scan3A_10 = arith.constant 1 : i32
    scf.for %scan3A_23 = %scan3A_7 to %scan3A_9 step %scan3A_10  : i32 {
      %dma_start3A = arith.constant 0 : i32
      %dma_start3A_24 = tpu.memref_slice %arg5[%scan3A_23, %dma_start3A] : memref<80x128xi32, #tpu.memory_space<vmem>> -> memref<1x128xi32, #tpu.memory_space<vmem>>
      %dma_start3A_25 = tpu.memref_squeeze %dma_start3A_24 : memref<1x128xi32, #tpu.memory_space<vmem>> -> memref<128xi32, #tpu.memory_space<vmem>>
      %dma_start3A_26 = arith.constant 0 : i32
      %dma_start3A_27 = arith.constant 0 : i32
      %dma_start3A_28 = tpu.memref_slice %arg7[%dma_start3A_26, %dma_start3A_27] : memref<10112x16xf32, #tpu.memory_space<vmem_shared>> -> memref<10112x16xf32, #tpu.memory_space<vmem_shared>>
      tpu.enqueue_indirect_dma source(%arg6 : memref<128x16xf32, #tpu.memory_space<vmem>>) target(%dma_start3A_28 : memref<10112x16xf32, #tpu.memory_space<vmem_shared>>) offsets(%dma_start3A_25 : memref<128xi32, #tpu.memory_space<vmem>>) semaphore(%arg8 : memref<!tpu.dma_semaphore, #tpu.memory_space<semaphore_mem>>) {add = true}
    }
    %scan3A_11 = arith.constant 80 : i32
    %scan3A_12 = arith.constant 0 : i32
    %scan3A_13 = arith.constant 0 : i32
    %scan3A_14 = arith.constant 80 : i32
    %scan3A_15 = arith.addi %scan3A_13, %scan3A_14 : i32
    %scan3A_16 = arith.constant 1 : i32
    scf.for %scan3A_23 = %scan3A_13 to %scan3A_15 step %scan3A_16  : i32 {
      %dma_wait3A = arith.constant 0 : i32
      %dma_wait3A_24 = tpu.memref_slice %arg5[%scan3A_23, %dma_wait3A] : memref<80x128xi32, #tpu.memory_space<vmem>> -> memref<1x128xi32, #tpu.memory_space<vmem>>
      %dma_wait3A_25 = tpu.memref_squeeze %dma_wait3A_24 : memref<1x128xi32, #tpu.memory_space<vmem>> -> memref<128xi32, #tpu.memory_space<vmem>>
      %dma_wait3A_26 = arith.constant 0 : i32
      %dma_wait3A_27 = arith.constant 0 : i32
      %dma_wait3A_28 = tpu.memref_slice %arg7[%dma_wait3A_26, %dma_wait3A_27] : memref<10112x16xf32, #tpu.memory_space<vmem_shared>> -> memref<10112x16xf32, #tpu.memory_space<vmem_shared>>
      tpu.wait_indirect_dma semaphore(%arg8 : memref<!tpu.dma_semaphore, #tpu.memory_space<semaphore_mem>>) src(%arg6 : memref<128x16xf32, #tpu.memory_space<vmem>>) dst(%dma_wait3A_28 : memref<10112x16xf32, #tpu.memory_space<vmem_shared>>)
    }
    %scan3A_17 = arith.constant 80 : i32
    %barrier3A_18 = arith.constant 0 : index
    tpu.barrier barrier_id(%barrier3A_18)
    %mul3A_19 = arith.constant 632 : i32
    %mul3A_20 = arith.muli %arg1, %mul3A_19 : i32
    %mul3A_21 = arith.constant 632 : i32
    %mul3A_22 = arith.muli %arg1, %mul3A_21 : i32
    "tpu.region"() ({
      %run_scoped3A_23 = tpu.sem_alloc : memref<!tpu.dma_semaphore, #tpu.memory_space<semaphore_mem>>
      %dma_start3A = arith.constant 0 : i32
      %dma_start3A_24 = tpu.memref_slice %arg4[%arg0, %mul3A_22, %dma_start3A] : memref<2x10112x16xf32, #tpu.memory_space<hbm>> -> memref<1x632x16xf32, #tpu.memory_space<hbm>>
      %dma_start3A_25 = tpu.memref_squeeze %dma_start3A_24 : memref<1x632x16xf32, #tpu.memory_space<hbm>> -> memref<632x16xf32, #tpu.memory_space<hbm>>
      %dma_start3A_26 = arith.constant 0 : i32
      %dma_start3A_27 = tpu.memref_slice %arg7[%mul3A_20, %dma_start3A_26] : memref<10112x16xf32, #tpu.memory_space<vmem_shared>> -> memref<632x16xf32, #tpu.memory_space<vmem_shared>>
      tpu.enqueue_dma source(%dma_start3A_27 : memref<632x16xf32, #tpu.memory_space<vmem_shared>>) target(%dma_start3A_25 : memref<632x16xf32, #tpu.memory_space<hbm>>) target_semaphore(%run_scoped3A_23 : memref<!tpu.dma_semaphore, #tpu.memory_space<semaphore_mem>>)
      %dma_wait3A = arith.constant 0 : i32
      %dma_wait3A_28 = tpu.memref_slice %arg4[%arg0, %mul3A_22, %dma_wait3A] : memref<2x10112x16xf32, #tpu.memory_space<hbm>> -> memref<1x632x16xf32, #tpu.memory_space<hbm>>
      %dma_wait3A_29 = tpu.memref_squeeze %dma_wait3A_28 : memref<1x632x16xf32, #tpu.memory_space<hbm>> -> memref<632x16xf32, #tpu.memory_space<hbm>>
      %dma_wait3A_30 = arith.constant 0 : i32
      %dma_wait3A_31 = tpu.memref_slice %arg7[%mul3A_20, %dma_wait3A_30] : memref<10112x16xf32, #tpu.memory_space<vmem_shared>> -> memref<632x16xf32, #tpu.memory_space<vmem_shared>>
      tpu.wait_dma2 semaphore(%run_scoped3A_23 : memref<!tpu.dma_semaphore, #tpu.memory_space<semaphore_mem>>) src(%dma_wait3A_31 : memref<632x16xf32, #tpu.memory_space<vmem_shared>>) dst(%dma_wait3A_29 : memref<632x16xf32, #tpu.memory_space<hbm>>)
      tpu.yield
    }) : () -> ()
    return
  }
}

#map = affine_map<(d0, d1) -> (0, 0)>
#map1 = affine_map<(d0, d1) -> (0, 0, 0)>
module attributes {stable_mosaic.version = 14 : i64} {
  func.func @body(%arg0: i32, %arg1: i32, %arg2: memref<10000x64xf32, #tpu.memory_space<hbm>>, %arg3: memref<2x2560x128xi32, #tpu.memory_space<hbm>>, %arg4: memref<632x64xf32, #tpu.memory_space<hbm>>, %arg5: memref<2x10112x64xf32, #tpu.memory_space<hbm>>, %arg6: memref<80x128xi32, #tpu.memory_space<vmem>>, %arg7: memref<80x128xi32, #tpu.memory_space<vmem>>, %arg8: memref<128x64xf32, #tpu.memory_space<vmem>>, %arg9: memref<128x64xf32, #tpu.memory_space<vmem>>, %arg10: memref<128x64xf32, #tpu.memory_space<vmem>>, %arg11: memref<128x64xf32, #tpu.memory_space<vmem>>, %arg12: memref<10112x64xf32, #tpu.memory_space<vmem_shared>>, %arg13: memref<!tpu.dma_semaphore, #tpu.memory_space<semaphore_mem>>, %arg14: memref<!tpu.dma_semaphore, #tpu.memory_space<semaphore_mem>>, %arg15: memref<!tpu.dma_semaphore, #tpu.memory_space<semaphore_mem>>, %arg16: memref<!tpu.dma_semaphore, #tpu.memory_space<semaphore_mem>>, %arg17: memref<!tpu.dma_semaphore, #tpu.memory_space<semaphore_mem>>, %arg18: memref<!tpu.dma_semaphore, #tpu.memory_space<semaphore_mem>>, %arg19: memref<!tpu.dma_semaphore, #tpu.memory_space<semaphore_mem>>, %arg20: memref<!tpu.dma_semaphore, #tpu.memory_space<semaphore_mem>>) attributes {dimension_semantics = [#tpu.dimension_semantics<core_parallel>, #tpu.dimension_semantics<subcore_parallel>], iteration_bounds = array<i64: 2, 16>, scalar_prefetch = 0 : i64, scratch_operands = 15 : i64, tpu.core_type = #tpu.core_type<sc_vector_subcore>, window_params = [{transform_indices = #map}, {transform_indices = #map1}, {transform_indices = #map}, {transform_indices = #map1}]} {
    %mul3A = arith.constant 16 : i32
    %mul3A_0 = arith.muli %arg0, %mul3A : i32
    %add3A = arith.addi %mul3A_0, %arg1 : i32
    %mul3A_1 = arith.constant 632 : i32
    %mul3A_2 = arith.muli %arg1, %mul3A_1 : i32
    %min3A = arith.constant 9368 : i32
    %min3A_3 = arith.minsi %mul3A_2, %min3A : i32
    %eq3A = arith.constant 0 : i32
    %eq3A_4 = arith.cmpi eq, %arg0, %eq3A : i32
    %convert_element_type3A = arith.extui %eq3A_4 : i1 to i32
    %cond3A = arith.constant 0 : i32
    %cond3A_5 = arith.cmpi ne, %convert_element_type3A, %cond3A : i32
    scf.if %cond3A_5 {
      "tpu.region"() ({
        %run_scoped3A_136 = tpu.sem_alloc : memref<!tpu.dma_semaphore, #tpu.memory_space<semaphore_mem>>
        %dma_start3A_137 = arith.constant 0 : i32
        %dma_start3A_138 = tpu.memref_slice %arg12[%min3A_3, %dma_start3A_137] : memref<10112x64xf32, #tpu.memory_space<vmem_shared>> -> memref<632x64xf32, #tpu.memory_space<vmem_shared>>
        %dma_start3A_139 = arith.constant 0 : i32
        %dma_start3A_140 = tpu.memref_slice %arg2[%min3A_3, %dma_start3A_139] : memref<10000x64xf32, #tpu.memory_space<hbm>> -> memref<632x64xf32, #tpu.memory_space<hbm>>
        tpu.enqueue_dma source(%dma_start3A_140 : memref<632x64xf32, #tpu.memory_space<hbm>>) target(%dma_start3A_138 : memref<632x64xf32, #tpu.memory_space<vmem_shared>>) target_semaphore(%run_scoped3A_136 : memref<!tpu.dma_semaphore, #tpu.memory_space<semaphore_mem>>)
        %dma_wait3A_141 = arith.constant 0 : i32
        %dma_wait3A_142 = tpu.memref_slice %arg12[%min3A_3, %dma_wait3A_141] : memref<10112x64xf32, #tpu.memory_space<vmem_shared>> -> memref<632x64xf32, #tpu.memory_space<vmem_shared>>
        %dma_wait3A_143 = arith.constant 0 : i32
        %dma_wait3A_144 = tpu.memref_slice %arg2[%min3A_3, %dma_wait3A_143] : memref<10000x64xf32, #tpu.memory_space<hbm>> -> memref<632x64xf32, #tpu.memory_space<hbm>>
        tpu.wait_dma2 semaphore(%run_scoped3A_136 : memref<!tpu.dma_semaphore, #tpu.memory_space<semaphore_mem>>) src(%dma_wait3A_144 : memref<632x64xf32, #tpu.memory_space<hbm>>) dst(%dma_wait3A_142 : memref<632x64xf32, #tpu.memory_space<vmem_shared>>)
        tpu.yield
      }) : () -> ()
    } else {
    }
    %eq3A_6 = arith.constant 1 : i32
    %eq3A_7 = arith.cmpi eq, %arg0, %eq3A_6 : i32
    %convert_element_type3A_8 = arith.extui %eq3A_7 : i1 to i32
    %cond3A_9 = arith.constant 0 : i32
    %cond3A_10 = arith.cmpi ne, %convert_element_type3A_8, %cond3A_9 : i32
    scf.if %cond3A_10 {
      %mul3A_136 = arith.constant 632 : i32
      %mul3A_137 = arith.muli %arg1, %mul3A_136 : i32
      "tpu.region"() ({
        %run_scoped3A_138 = tpu.sem_alloc : memref<!tpu.dma_semaphore, #tpu.memory_space<semaphore_mem>>
        %dma_start3A_139 = arith.constant 0 : i32
        %dma_start3A_140 = tpu.memref_slice %arg12[%mul3A_137, %dma_start3A_139] : memref<10112x64xf32, #tpu.memory_space<vmem_shared>> -> memref<632x64xf32, #tpu.memory_space<vmem_shared>>
        %dma_start3A_141 = arith.constant 0 : i32
        %dma_start3A_142 = arith.constant 0 : i32
        %dma_start3A_143 = tpu.memref_slice %arg4[%dma_start3A_141, %dma_start3A_142] : memref<632x64xf32, #tpu.memory_space<hbm>> -> memref<632x64xf32, #tpu.memory_space<hbm>>
        tpu.enqueue_dma source(%dma_start3A_143 : memref<632x64xf32, #tpu.memory_space<hbm>>) target(%dma_start3A_140 : memref<632x64xf32, #tpu.memory_space<vmem_shared>>) target_semaphore(%run_scoped3A_138 : memref<!tpu.dma_semaphore, #tpu.memory_space<semaphore_mem>>)
        %dma_wait3A_144 = arith.constant 0 : i32
        %dma_wait3A_145 = tpu.memref_slice %arg12[%mul3A_137, %dma_wait3A_144] : memref<10112x64xf32, #tpu.memory_space<vmem_shared>> -> memref<632x64xf32, #tpu.memory_space<vmem_shared>>
        %dma_wait3A_146 = arith.constant 0 : i32
        %dma_wait3A_147 = arith.constant 0 : i32
        %dma_wait3A_148 = tpu.memref_slice %arg4[%dma_wait3A_146, %dma_wait3A_147] : memref<632x64xf32, #tpu.memory_space<hbm>> -> memref<632x64xf32, #tpu.memory_space<hbm>>
        tpu.wait_dma2 semaphore(%run_scoped3A_138 : memref<!tpu.dma_semaphore, #tpu.memory_space<semaphore_mem>>) src(%dma_wait3A_148 : memref<632x64xf32, #tpu.memory_space<hbm>>) dst(%dma_wait3A_145 : memref<632x64xf32, #tpu.memory_space<vmem_shared>>)
        tpu.yield
      }) : () -> ()
    } else {
    }
    %mul3A_11 = arith.constant 80 : i32
    %mul3A_12 = arith.muli %add3A, %mul3A_11 : i32
    %run_scoped3A = arith.constant 0 : i32
    "tpu.region"() ({
      %run_scoped3A_136 = tpu.sem_alloc : memref<!tpu.dma_semaphore, #tpu.memory_space<semaphore_mem>>
      %dma_start3A_137 = arith.constant 0 : i32
      %dma_start3A_138 = tpu.memref_slice %arg3[%run_scoped3A, %mul3A_12, %dma_start3A_137] : memref<2x2560x128xi32, #tpu.memory_space<hbm>> -> memref<1x80x128xi32, #tpu.memory_space<hbm>>
      %dma_start3A_139 = tpu.memref_squeeze %dma_start3A_138 : memref<1x80x128xi32, #tpu.memory_space<hbm>> -> memref<80x128xi32, #tpu.memory_space<hbm>>
      %dma_start3A_140 = arith.constant 0 : i32
      %dma_start3A_141 = tpu.memref_slice %arg3[%run_scoped3A, %mul3A_12, %dma_start3A_140] : memref<2x2560x128xi32, #tpu.memory_space<hbm>> -> memref<1x80x128xi32, #tpu.memory_space<hbm>>
      %dma_start3A_142 = tpu.memref_squeeze %dma_start3A_141 : memref<1x80x128xi32, #tpu.memory_space<hbm>> -> memref<80x128xi32, #tpu.memory_space<hbm>>
      tpu.enqueue_dma source(%dma_start3A_142 : memref<80x128xi32, #tpu.memory_space<hbm>>) target(%arg6 : memref<80x128xi32, #tpu.memory_space<vmem>>) target_semaphore(%run_scoped3A_136 : memref<!tpu.dma_semaphore, #tpu.memory_space<semaphore_mem>>)
      %dma_wait3A_143 = arith.constant 0 : i32
      %dma_wait3A_144 = tpu.memref_slice %arg3[%run_scoped3A, %mul3A_12, %dma_wait3A_143] : memref<2x2560x128xi32, #tpu.memory_space<hbm>> -> memref<1x80x128xi32, #tpu.memory_space<hbm>>
      %dma_wait3A_145 = tpu.memref_squeeze %dma_wait3A_144 : memref<1x80x128xi32, #tpu.memory_space<hbm>> -> memref<80x128xi32, #tpu.memory_space<hbm>>
      %dma_wait3A_146 = arith.constant 0 : i32
      %dma_wait3A_147 = tpu.memref_slice %arg3[%run_scoped3A, %mul3A_12, %dma_wait3A_146] : memref<2x2560x128xi32, #tpu.memory_space<hbm>> -> memref<1x80x128xi32, #tpu.memory_space<hbm>>
      %dma_wait3A_148 = tpu.memref_squeeze %dma_wait3A_147 : memref<1x80x128xi32, #tpu.memory_space<hbm>> -> memref<80x128xi32, #tpu.memory_space<hbm>>
      tpu.wait_dma2 semaphore(%run_scoped3A_136 : memref<!tpu.dma_semaphore, #tpu.memory_space<semaphore_mem>>) src(%dma_wait3A_148 : memref<80x128xi32, #tpu.memory_space<hbm>>) dst(%arg6 : memref<80x128xi32, #tpu.memory_space<vmem>>)
      tpu.yield
    }) : () -> ()
    %mul3A_13 = arith.constant 80 : i32
    %mul3A_14 = arith.muli %add3A, %mul3A_13 : i32
    %run_scoped3A_15 = arith.constant 1 : i32
    "tpu.region"() ({
      %run_scoped3A_136 = tpu.sem_alloc : memref<!tpu.dma_semaphore, #tpu.memory_space<semaphore_mem>>
      %dma_start3A_137 = arith.constant 0 : i32
      %dma_start3A_138 = tpu.memref_slice %arg3[%run_scoped3A_15, %mul3A_14, %dma_start3A_137] : memref<2x2560x128xi32, #tpu.memory_space<hbm>> -> memref<1x80x128xi32, #tpu.memory_space<hbm>>
      %dma_start3A_139 = tpu.memref_squeeze %dma_start3A_138 : memref<1x80x128xi32, #tpu.memory_space<hbm>> -> memref<80x128xi32, #tpu.memory_space<hbm>>
      %dma_start3A_140 = arith.constant 0 : i32
      %dma_start3A_141 = tpu.memref_slice %arg3[%run_scoped3A_15, %mul3A_14, %dma_start3A_140] : memref<2x2560x128xi32, #tpu.memory_space<hbm>> -> memref<1x80x128xi32, #tpu.memory_space<hbm>>
      %dma_start3A_142 = tpu.memref_squeeze %dma_start3A_141 : memref<1x80x128xi32, #tpu.memory_space<hbm>> -> memref<80x128xi32, #tpu.memory_space<hbm>>
      tpu.enqueue_dma source(%dma_start3A_142 : memref<80x128xi32, #tpu.memory_space<hbm>>) target(%arg7 : memref<80x128xi32, #tpu.memory_space<vmem>>) target_semaphore(%run_scoped3A_136 : memref<!tpu.dma_semaphore, #tpu.memory_space<semaphore_mem>>)
      %dma_wait3A_143 = arith.constant 0 : i32
      %dma_wait3A_144 = tpu.memref_slice %arg3[%run_scoped3A_15, %mul3A_14, %dma_wait3A_143] : memref<2x2560x128xi32, #tpu.memory_space<hbm>> -> memref<1x80x128xi32, #tpu.memory_space<hbm>>
      %dma_wait3A_145 = tpu.memref_squeeze %dma_wait3A_144 : memref<1x80x128xi32, #tpu.memory_space<hbm>> -> memref<80x128xi32, #tpu.memory_space<hbm>>
      %dma_wait3A_146 = arith.constant 0 : i32
      %dma_wait3A_147 = tpu.memref_slice %arg3[%run_scoped3A_15, %mul3A_14, %dma_wait3A_146] : memref<2x2560x128xi32, #tpu.memory_space<hbm>> -> memref<1x80x128xi32, #tpu.memory_space<hbm>>
      %dma_wait3A_148 = tpu.memref_squeeze %dma_wait3A_147 : memref<1x80x128xi32, #tpu.memory_space<hbm>> -> memref<80x128xi32, #tpu.memory_space<hbm>>
      tpu.wait_dma2 semaphore(%run_scoped3A_136 : memref<!tpu.dma_semaphore, #tpu.memory_space<semaphore_mem>>) src(%dma_wait3A_148 : memref<80x128xi32, #tpu.memory_space<hbm>>) dst(%arg7 : memref<80x128xi32, #tpu.memory_space<vmem>>)
      tpu.yield
    }) : () -> ()
    %barrier3A = arith.constant 0 : index
    tpu.barrier barrier_id(%barrier3A)
    %dma_start3A = arith.constant 0 : i32
    %dma_start3A_16 = arith.constant 0 : i32
    %dma_start3A_17 = tpu.memref_slice %arg6[%dma_start3A, %dma_start3A_16] : memref<80x128xi32, #tpu.memory_space<vmem>> -> memref<1x128xi32, #tpu.memory_space<vmem>>
    %dma_start3A_18 = tpu.memref_squeeze %dma_start3A_17 : memref<1x128xi32, #tpu.memory_space<vmem>> -> memref<128xi32, #tpu.memory_space<vmem>>
    %dma_start3A_19 = arith.constant 0 : i32
    %dma_start3A_20 = arith.constant 0 : i32
    %dma_start3A_21 = tpu.memref_slice %arg2[%dma_start3A_19, %dma_start3A_20] : memref<10000x64xf32, #tpu.memory_space<hbm>> -> memref<10000x64xf32, #tpu.memory_space<hbm>>
    tpu.enqueue_indirect_dma source(%dma_start3A_21 : memref<10000x64xf32, #tpu.memory_space<hbm>>) target(%arg8 : memref<128x64xf32, #tpu.memory_space<vmem>>) offsets(%dma_start3A_18 : memref<128xi32, #tpu.memory_space<vmem>>) semaphore(%arg13 : memref<!tpu.dma_semaphore, #tpu.memory_space<semaphore_mem>>)
    %dma_start3A_22 = arith.constant 1 : i32
    %dma_start3A_23 = arith.constant 0 : i32
    %dma_start3A_24 = tpu.memref_slice %arg6[%dma_start3A_22, %dma_start3A_23] : memref<80x128xi32, #tpu.memory_space<vmem>> -> memref<1x128xi32, #tpu.memory_space<vmem>>
    %dma_start3A_25 = tpu.memref_squeeze %dma_start3A_24 : memref<1x128xi32, #tpu.memory_space<vmem>> -> memref<128xi32, #tpu.memory_space<vmem>>
    %dma_start3A_26 = arith.constant 0 : i32
    %dma_start3A_27 = arith.constant 0 : i32
    %dma_start3A_28 = tpu.memref_slice %arg2[%dma_start3A_26, %dma_start3A_27] : memref<10000x64xf32, #tpu.memory_space<hbm>> -> memref<10000x64xf32, #tpu.memory_space<hbm>>
    tpu.enqueue_indirect_dma source(%dma_start3A_28 : memref<10000x64xf32, #tpu.memory_space<hbm>>) target(%arg9 : memref<128x64xf32, #tpu.memory_space<vmem>>) offsets(%dma_start3A_25 : memref<128xi32, #tpu.memory_space<vmem>>) semaphore(%arg14 : memref<!tpu.dma_semaphore, #tpu.memory_space<semaphore_mem>>)
    %dma_start3A_29 = arith.constant 2 : i32
    %dma_start3A_30 = arith.constant 0 : i32
    %dma_start3A_31 = tpu.memref_slice %arg6[%dma_start3A_29, %dma_start3A_30] : memref<80x128xi32, #tpu.memory_space<vmem>> -> memref<1x128xi32, #tpu.memory_space<vmem>>
    %dma_start3A_32 = tpu.memref_squeeze %dma_start3A_31 : memref<1x128xi32, #tpu.memory_space<vmem>> -> memref<128xi32, #tpu.memory_space<vmem>>
    %dma_start3A_33 = arith.constant 0 : i32
    %dma_start3A_34 = arith.constant 0 : i32
    %dma_start3A_35 = tpu.memref_slice %arg2[%dma_start3A_33, %dma_start3A_34] : memref<10000x64xf32, #tpu.memory_space<hbm>> -> memref<10000x64xf32, #tpu.memory_space<hbm>>
    tpu.enqueue_indirect_dma source(%dma_start3A_35 : memref<10000x64xf32, #tpu.memory_space<hbm>>) target(%arg10 : memref<128x64xf32, #tpu.memory_space<vmem>>) offsets(%dma_start3A_32 : memref<128xi32, #tpu.memory_space<vmem>>) semaphore(%arg15 : memref<!tpu.dma_semaphore, #tpu.memory_space<semaphore_mem>>)
    %dma_start3A_36 = arith.constant 3 : i32
    %dma_start3A_37 = arith.constant 0 : i32
    %dma_start3A_38 = tpu.memref_slice %arg6[%dma_start3A_36, %dma_start3A_37] : memref<80x128xi32, #tpu.memory_space<vmem>> -> memref<1x128xi32, #tpu.memory_space<vmem>>
    %dma_start3A_39 = tpu.memref_squeeze %dma_start3A_38 : memref<1x128xi32, #tpu.memory_space<vmem>> -> memref<128xi32, #tpu.memory_space<vmem>>
    %dma_start3A_40 = arith.constant 0 : i32
    %dma_start3A_41 = arith.constant 0 : i32
    %dma_start3A_42 = tpu.memref_slice %arg2[%dma_start3A_40, %dma_start3A_41] : memref<10000x64xf32, #tpu.memory_space<hbm>> -> memref<10000x64xf32, #tpu.memory_space<hbm>>
    tpu.enqueue_indirect_dma source(%dma_start3A_42 : memref<10000x64xf32, #tpu.memory_space<hbm>>) target(%arg11 : memref<128x64xf32, #tpu.memory_space<vmem>>) offsets(%dma_start3A_39 : memref<128xi32, #tpu.memory_space<vmem>>) semaphore(%arg16 : memref<!tpu.dma_semaphore, #tpu.memory_space<semaphore_mem>>)
    %dma_wait3A = arith.constant 0 : i32
    %dma_wait3A_43 = arith.constant 0 : i32
    %dma_wait3A_44 = tpu.memref_slice %arg6[%dma_wait3A, %dma_wait3A_43] : memref<80x128xi32, #tpu.memory_space<vmem>> -> memref<1x128xi32, #tpu.memory_space<vmem>>
    %dma_wait3A_45 = tpu.memref_squeeze %dma_wait3A_44 : memref<1x128xi32, #tpu.memory_space<vmem>> -> memref<128xi32, #tpu.memory_space<vmem>>
    %dma_wait3A_46 = arith.constant 0 : i32
    %dma_wait3A_47 = arith.constant 0 : i32
    %dma_wait3A_48 = tpu.memref_slice %arg2[%dma_wait3A_46, %dma_wait3A_47] : memref<10000x64xf32, #tpu.memory_space<hbm>> -> memref<10000x64xf32, #tpu.memory_space<hbm>>
    tpu.wait_indirect_dma semaphore(%arg13 : memref<!tpu.dma_semaphore, #tpu.memory_space<semaphore_mem>>) src(%dma_wait3A_48 : memref<10000x64xf32, #tpu.memory_space<hbm>>) dst(%arg8 : memref<128x64xf32, #tpu.memory_space<vmem>>)
    %dma_start3A_49 = arith.constant 0 : i32
    %dma_start3A_50 = arith.constant 0 : i32
    %dma_start3A_51 = tpu.memref_slice %arg7[%dma_start3A_49, %dma_start3A_50] : memref<80x128xi32, #tpu.memory_space<vmem>> -> memref<1x128xi32, #tpu.memory_space<vmem>>
    %dma_start3A_52 = tpu.memref_squeeze %dma_start3A_51 : memref<1x128xi32, #tpu.memory_space<vmem>> -> memref<128xi32, #tpu.memory_space<vmem>>
    %dma_start3A_53 = arith.constant 0 : i32
    %dma_start3A_54 = arith.constant 0 : i32
    %dma_start3A_55 = tpu.memref_slice %arg12[%dma_start3A_53, %dma_start3A_54] : memref<10112x64xf32, #tpu.memory_space<vmem_shared>> -> memref<10112x64xf32, #tpu.memory_space<vmem_shared>>
    tpu.enqueue_indirect_dma source(%arg8 : memref<128x64xf32, #tpu.memory_space<vmem>>) target(%dma_start3A_55 : memref<10112x64xf32, #tpu.memory_space<vmem_shared>>) offsets(%dma_start3A_52 : memref<128xi32, #tpu.memory_space<vmem>>) semaphore(%arg17 : memref<!tpu.dma_semaphore, #tpu.memory_space<semaphore_mem>>) {add = true}
    %dma_wait3A_56 = arith.constant 1 : i32
    %dma_wait3A_57 = arith.constant 0 : i32
    %dma_wait3A_58 = tpu.memref_slice %arg6[%dma_wait3A_56, %dma_wait3A_57] : memref<80x128xi32, #tpu.memory_space<vmem>> -> memref<1x128xi32, #tpu.memory_space<vmem>>
    %dma_wait3A_59 = tpu.memref_squeeze %dma_wait3A_58 : memref<1x128xi32, #tpu.memory_space<vmem>> -> memref<128xi32, #tpu.memory_space<vmem>>
    %dma_wait3A_60 = arith.constant 0 : i32
    %dma_wait3A_61 = arith.constant 0 : i32
    %dma_wait3A_62 = tpu.memref_slice %arg2[%dma_wait3A_60, %dma_wait3A_61] : memref<10000x64xf32, #tpu.memory_space<hbm>> -> memref<10000x64xf32, #tpu.memory_space<hbm>>
    tpu.wait_indirect_dma semaphore(%arg14 : memref<!tpu.dma_semaphore, #tpu.memory_space<semaphore_mem>>) src(%dma_wait3A_62 : memref<10000x64xf32, #tpu.memory_space<hbm>>) dst(%arg9 : memref<128x64xf32, #tpu.memory_space<vmem>>)
    %dma_start3A_63 = arith.constant 1 : i32
    %dma_start3A_64 = arith.constant 0 : i32
    %dma_start3A_65 = tpu.memref_slice %arg7[%dma_start3A_63, %dma_start3A_64] : memref<80x128xi32, #tpu.memory_space<vmem>> -> memref<1x128xi32, #tpu.memory_space<vmem>>
    %dma_start3A_66 = tpu.memref_squeeze %dma_start3A_65 : memref<1x128xi32, #tpu.memory_space<vmem>> -> memref<128xi32, #tpu.memory_space<vmem>>
    %dma_start3A_67 = arith.constant 0 : i32
    %dma_start3A_68 = arith.constant 0 : i32
    %dma_start3A_69 = tpu.memref_slice %arg12[%dma_start3A_67, %dma_start3A_68] : memref<10112x64xf32, #tpu.memory_space<vmem_shared>> -> memref<10112x64xf32, #tpu.memory_space<vmem_shared>>
    tpu.enqueue_indirect_dma source(%arg9 : memref<128x64xf32, #tpu.memory_space<vmem>>) target(%dma_start3A_69 : memref<10112x64xf32, #tpu.memory_space<vmem_shared>>) offsets(%dma_start3A_66 : memref<128xi32, #tpu.memory_space<vmem>>) semaphore(%arg18 : memref<!tpu.dma_semaphore, #tpu.memory_space<semaphore_mem>>) {add = true}
    %scan3A = arith.constant 0 : i32
    %scan3A_70 = arith.constant 1 : i32
    %scan3A_71 = arith.constant 19 : i32
    %scan3A_72 = arith.addi %scan3A_70, %scan3A_71 : i32
    %scan3A_73 = arith.constant 1 : i32
    scf.for %scan3A_136 = %scan3A_70 to %scan3A_72 step %scan3A_73  : i32 {
      %mul3A_137 = arith.constant 4 : i32
      %mul3A_138 = arith.muli %mul3A_137, %scan3A_136 : i32
      %add3A_139 = arith.constant 0 : i32
      %add3A_140 = arith.addi %mul3A_138, %add3A_139 : i32
      %sub3A = arith.constant 4 : i32
      %sub3A_141 = arith.subi %add3A_140, %sub3A : i32
      %dma_wait3A_142 = arith.constant 0 : i32
      %dma_wait3A_143 = tpu.memref_slice %arg7[%sub3A_141, %dma_wait3A_142] : memref<80x128xi32, #tpu.memory_space<vmem>> -> memref<1x128xi32, #tpu.memory_space<vmem>>
      %dma_wait3A_144 = tpu.memref_squeeze %dma_wait3A_143 : memref<1x128xi32, #tpu.memory_space<vmem>> -> memref<128xi32, #tpu.memory_space<vmem>>
      %dma_wait3A_145 = arith.constant 0 : i32
      %dma_wait3A_146 = arith.constant 0 : i32
      %dma_wait3A_147 = tpu.memref_slice %arg12[%dma_wait3A_145, %dma_wait3A_146] : memref<10112x64xf32, #tpu.memory_space<vmem_shared>> -> memref<10112x64xf32, #tpu.memory_space<vmem_shared>>
      tpu.wait_indirect_dma semaphore(%arg17 : memref<!tpu.dma_semaphore, #tpu.memory_space<semaphore_mem>>) src(%arg8 : memref<128x64xf32, #tpu.memory_space<vmem>>) dst(%dma_wait3A_147 : memref<10112x64xf32, #tpu.memory_space<vmem_shared>>)
      %dma_start3A_148 = arith.constant 0 : i32
      %dma_start3A_149 = tpu.memref_slice %arg6[%add3A_140, %dma_start3A_148] : memref<80x128xi32, #tpu.memory_space<vmem>> -> memref<1x128xi32, #tpu.memory_space<vmem>>
      %dma_start3A_150 = tpu.memref_squeeze %dma_start3A_149 : memref<1x128xi32, #tpu.memory_space<vmem>> -> memref<128xi32, #tpu.memory_space<vmem>>
      %dma_start3A_151 = arith.constant 0 : i32
      %dma_start3A_152 = arith.constant 0 : i32
      %dma_start3A_153 = tpu.memref_slice %arg2[%dma_start3A_151, %dma_start3A_152] : memref<10000x64xf32, #tpu.memory_space<hbm>> -> memref<10000x64xf32, #tpu.memory_space<hbm>>
      tpu.enqueue_indirect_dma source(%dma_start3A_153 : memref<10000x64xf32, #tpu.memory_space<hbm>>) target(%arg8 : memref<128x64xf32, #tpu.memory_space<vmem>>) offsets(%dma_start3A_150 : memref<128xi32, #tpu.memory_space<vmem>>) semaphore(%arg13 : memref<!tpu.dma_semaphore, #tpu.memory_space<semaphore_mem>>)
      %sub3A_154 = arith.constant 2 : i32
      %sub3A_155 = arith.subi %add3A_140, %sub3A_154 : i32
      %dma_wait3A_156 = arith.constant 0 : i32
      %dma_wait3A_157 = tpu.memref_slice %arg6[%sub3A_155, %dma_wait3A_156] : memref<80x128xi32, #tpu.memory_space<vmem>> -> memref<1x128xi32, #tpu.memory_space<vmem>>
      %dma_wait3A_158 = tpu.memref_squeeze %dma_wait3A_157 : memref<1x128xi32, #tpu.memory_space<vmem>> -> memref<128xi32, #tpu.memory_space<vmem>>
      %dma_wait3A_159 = arith.constant 0 : i32
      %dma_wait3A_160 = arith.constant 0 : i32
      %dma_wait3A_161 = tpu.memref_slice %arg2[%dma_wait3A_159, %dma_wait3A_160] : memref<10000x64xf32, #tpu.memory_space<hbm>> -> memref<10000x64xf32, #tpu.memory_space<hbm>>
      tpu.wait_indirect_dma semaphore(%arg15 : memref<!tpu.dma_semaphore, #tpu.memory_space<semaphore_mem>>) src(%dma_wait3A_161 : memref<10000x64xf32, #tpu.memory_space<hbm>>) dst(%arg10 : memref<128x64xf32, #tpu.memory_space<vmem>>)
      %sub3A_162 = arith.constant 2 : i32
      %sub3A_163 = arith.subi %add3A_140, %sub3A_162 : i32
      %dma_start3A_164 = arith.constant 0 : i32
      %dma_start3A_165 = tpu.memref_slice %arg7[%sub3A_163, %dma_start3A_164] : memref<80x128xi32, #tpu.memory_space<vmem>> -> memref<1x128xi32, #tpu.memory_space<vmem>>
      %dma_start3A_166 = tpu.memref_squeeze %dma_start3A_165 : memref<1x128xi32, #tpu.memory_space<vmem>> -> memref<128xi32, #tpu.memory_space<vmem>>
      %dma_start3A_167 = arith.constant 0 : i32
      %dma_start3A_168 = arith.constant 0 : i32
      %dma_start3A_169 = tpu.memref_slice %arg12[%dma_start3A_167, %dma_start3A_168] : memref<10112x64xf32, #tpu.memory_space<vmem_shared>> -> memref<10112x64xf32, #tpu.memory_space<vmem_shared>>
      tpu.enqueue_indirect_dma source(%arg10 : memref<128x64xf32, #tpu.memory_space<vmem>>) target(%dma_start3A_169 : memref<10112x64xf32, #tpu.memory_space<vmem_shared>>) offsets(%dma_start3A_166 : memref<128xi32, #tpu.memory_space<vmem>>) semaphore(%arg19 : memref<!tpu.dma_semaphore, #tpu.memory_space<semaphore_mem>>) {add = true}
      %mul3A_170 = arith.constant 4 : i32
      %mul3A_171 = arith.muli %mul3A_170, %scan3A_136 : i32
      %add3A_172 = arith.constant 1 : i32
      %add3A_173 = arith.addi %mul3A_171, %add3A_172 : i32
      %sub3A_174 = arith.constant 4 : i32
      %sub3A_175 = arith.subi %add3A_173, %sub3A_174 : i32
      %dma_wait3A_176 = arith.constant 0 : i32
      %dma_wait3A_177 = tpu.memref_slice %arg7[%sub3A_175, %dma_wait3A_176] : memref<80x128xi32, #tpu.memory_space<vmem>> -> memref<1x128xi32, #tpu.memory_space<vmem>>
      %dma_wait3A_178 = tpu.memref_squeeze %dma_wait3A_177 : memref<1x128xi32, #tpu.memory_space<vmem>> -> memref<128xi32, #tpu.memory_space<vmem>>
      %dma_wait3A_179 = arith.constant 0 : i32
      %dma_wait3A_180 = arith.constant 0 : i32
      %dma_wait3A_181 = tpu.memref_slice %arg12[%dma_wait3A_179, %dma_wait3A_180] : memref<10112x64xf32, #tpu.memory_space<vmem_shared>> -> memref<10112x64xf32, #tpu.memory_space<vmem_shared>>
      tpu.wait_indirect_dma semaphore(%arg18 : memref<!tpu.dma_semaphore, #tpu.memory_space<semaphore_mem>>) src(%arg9 : memref<128x64xf32, #tpu.memory_space<vmem>>) dst(%dma_wait3A_181 : memref<10112x64xf32, #tpu.memory_space<vmem_shared>>)
      %dma_start3A_182 = arith.constant 0 : i32
      %dma_start3A_183 = tpu.memref_slice %arg6[%add3A_173, %dma_start3A_182] : memref<80x128xi32, #tpu.memory_space<vmem>> -> memref<1x128xi32, #tpu.memory_space<vmem>>
      %dma_start3A_184 = tpu.memref_squeeze %dma_start3A_183 : memref<1x128xi32, #tpu.memory_space<vmem>> -> memref<128xi32, #tpu.memory_space<vmem>>
      %dma_start3A_185 = arith.constant 0 : i32
      %dma_start3A_186 = arith.constant 0 : i32
      %dma_start3A_187 = tpu.memref_slice %arg2[%dma_start3A_185, %dma_start3A_186] : memref<10000x64xf32, #tpu.memory_space<hbm>> -> memref<10000x64xf32, #tpu.memory_space<hbm>>
      tpu.enqueue_indirect_dma source(%dma_start3A_187 : memref<10000x64xf32, #tpu.memory_space<hbm>>) target(%arg9 : memref<128x64xf32, #tpu.memory_space<vmem>>) offsets(%dma_start3A_184 : memref<128xi32, #tpu.memory_space<vmem>>) semaphore(%arg14 : memref<!tpu.dma_semaphore, #tpu.memory_space<semaphore_mem>>)
      %sub3A_188 = arith.constant 2 : i32
      %sub3A_189 = arith.subi %add3A_173, %sub3A_188 : i32
      %dma_wait3A_190 = arith.constant 0 : i32
      %dma_wait3A_191 = tpu.memref_slice %arg6[%sub3A_189, %dma_wait3A_190] : memref<80x128xi32, #tpu.memory_space<vmem>> -> memref<1x128xi32, #tpu.memory_space<vmem>>
      %dma_wait3A_192 = tpu.memref_squeeze %dma_wait3A_191 : memref<1x128xi32, #tpu.memory_space<vmem>> -> memref<128xi32, #tpu.memory_space<vmem>>
      %dma_wait3A_193 = arith.constant 0 : i32
      %dma_wait3A_194 = arith.constant 0 : i32
      %dma_wait3A_195 = tpu.memref_slice %arg2[%dma_wait3A_193, %dma_wait3A_194] : memref<10000x64xf32, #tpu.memory_space<hbm>> -> memref<10000x64xf32, #tpu.memory_space<hbm>>
      tpu.wait_indirect_dma semaphore(%arg16 : memref<!tpu.dma_semaphore, #tpu.memory_space<semaphore_mem>>) src(%dma_wait3A_195 : memref<10000x64xf32, #tpu.memory_space<hbm>>) dst(%arg11 : memref<128x64xf32, #tpu.memory_space<vmem>>)
      %sub3A_196 = arith.constant 2 : i32
      %sub3A_197 = arith.subi %add3A_173, %sub3A_196 : i32
      %dma_start3A_198 = arith.constant 0 : i32
      %dma_start3A_199 = tpu.memref_slice %arg7[%sub3A_197, %dma_start3A_198] : memref<80x128xi32, #tpu.memory_space<vmem>> -> memref<1x128xi32, #tpu.memory_space<vmem>>
      %dma_start3A_200 = tpu.memref_squeeze %dma_start3A_199 : memref<1x128xi32, #tpu.memory_space<vmem>> -> memref<128xi32, #tpu.memory_space<vmem>>
      %dma_start3A_201 = arith.constant 0 : i32
      %dma_start3A_202 = arith.constant 0 : i32
      %dma_start3A_203 = tpu.memref_slice %arg12[%dma_start3A_201, %dma_start3A_202] : memref<10112x64xf32, #tpu.memory_space<vmem_shared>> -> memref<10112x64xf32, #tpu.memory_space<vmem_shared>>
      tpu.enqueue_indirect_dma source(%arg11 : memref<128x64xf32, #tpu.memory_space<vmem>>) target(%dma_start3A_203 : memref<10112x64xf32, #tpu.memory_space<vmem_shared>>) offsets(%dma_start3A_200 : memref<128xi32, #tpu.memory_space<vmem>>) semaphore(%arg20 : memref<!tpu.dma_semaphore, #tpu.memory_space<semaphore_mem>>) {add = true}
      %mul3A_204 = arith.constant 4 : i32
      %mul3A_205 = arith.muli %mul3A_204, %scan3A_136 : i32
      %add3A_206 = arith.constant 2 : i32
      %add3A_207 = arith.addi %mul3A_205, %add3A_206 : i32
      %sub3A_208 = arith.constant 4 : i32
      %sub3A_209 = arith.subi %add3A_207, %sub3A_208 : i32
      %dma_wait3A_210 = arith.constant 0 : i32
      %dma_wait3A_211 = tpu.memref_slice %arg7[%sub3A_209, %dma_wait3A_210] : memref<80x128xi32, #tpu.memory_space<vmem>> -> memref<1x128xi32, #tpu.memory_space<vmem>>
      %dma_wait3A_212 = tpu.memref_squeeze %dma_wait3A_211 : memref<1x128xi32, #tpu.memory_space<vmem>> -> memref<128xi32, #tpu.memory_space<vmem>>
      %dma_wait3A_213 = arith.constant 0 : i32
      %dma_wait3A_214 = arith.constant 0 : i32
      %dma_wait3A_215 = tpu.memref_slice %arg12[%dma_wait3A_213, %dma_wait3A_214] : memref<10112x64xf32, #tpu.memory_space<vmem_shared>> -> memref<10112x64xf32, #tpu.memory_space<vmem_shared>>
      tpu.wait_indirect_dma semaphore(%arg19 : memref<!tpu.dma_semaphore, #tpu.memory_space<semaphore_mem>>) src(%arg10 : memref<128x64xf32, #tpu.memory_space<vmem>>) dst(%dma_wait3A_215 : memref<10112x64xf32, #tpu.memory_space<vmem_shared>>)
      %dma_start3A_216 = arith.constant 0 : i32
      %dma_start3A_217 = tpu.memref_slice %arg6[%add3A_207, %dma_start3A_216] : memref<80x128xi32, #tpu.memory_space<vmem>> -> memref<1x128xi32, #tpu.memory_space<vmem>>
      %dma_start3A_218 = tpu.memref_squeeze %dma_start3A_217 : memref<1x128xi32, #tpu.memory_space<vmem>> -> memref<128xi32, #tpu.memory_space<vmem>>
      %dma_start3A_219 = arith.constant 0 : i32
      %dma_start3A_220 = arith.constant 0 : i32
      %dma_start3A_221 = tpu.memref_slice %arg2[%dma_start3A_219, %dma_start3A_220] : memref<10000x64xf32, #tpu.memory_space<hbm>> -> memref<10000x64xf32, #tpu.memory_space<hbm>>
      tpu.enqueue_indirect_dma source(%dma_start3A_221 : memref<10000x64xf32, #tpu.memory_space<hbm>>) target(%arg10 : memref<128x64xf32, #tpu.memory_space<vmem>>) offsets(%dma_start3A_218 : memref<128xi32, #tpu.memory_space<vmem>>) semaphore(%arg15 : memref<!tpu.dma_semaphore, #tpu.memory_space<semaphore_mem>>)
      %sub3A_222 = arith.constant 2 : i32
      %sub3A_223 = arith.subi %add3A_207, %sub3A_222 : i32
      %dma_wait3A_224 = arith.constant 0 : i32
      %dma_wait3A_225 = tpu.memref_slice %arg6[%sub3A_223, %dma_wait3A_224] : memref<80x128xi32, #tpu.memory_space<vmem>> -> memref<1x128xi32, #tpu.memory_space<vmem>>
      %dma_wait3A_226 = tpu.memref_squeeze %dma_wait3A_225 : memref<1x128xi32, #tpu.memory_space<vmem>> -> memref<128xi32, #tpu.memory_space<vmem>>
      %dma_wait3A_227 = arith.constant 0 : i32
      %dma_wait3A_228 = arith.constant 0 : i32
      %dma_wait3A_229 = tpu.memref_slice %arg2[%dma_wait3A_227, %dma_wait3A_228] : memref<10000x64xf32, #tpu.memory_space<hbm>> -> memref<10000x64xf32, #tpu.memory_space<hbm>>
      tpu.wait_indirect_dma semaphore(%arg13 : memref<!tpu.dma_semaphore, #tpu.memory_space<semaphore_mem>>) src(%dma_wait3A_229 : memref<10000x64xf32, #tpu.memory_space<hbm>>) dst(%arg8 : memref<128x64xf32, #tpu.memory_space<vmem>>)
      %sub3A_230 = arith.constant 2 : i32
      %sub3A_231 = arith.subi %add3A_207, %sub3A_230 : i32
      %dma_start3A_232 = arith.constant 0 : i32
      %dma_start3A_233 = tpu.memref_slice %arg7[%sub3A_231, %dma_start3A_232] : memref<80x128xi32, #tpu.memory_space<vmem>> -> memref<1x128xi32, #tpu.memory_space<vmem>>
      %dma_start3A_234 = tpu.memref_squeeze %dma_start3A_233 : memref<1x128xi32, #tpu.memory_space<vmem>> -> memref<128xi32, #tpu.memory_space<vmem>>
      %dma_start3A_235 = arith.constant 0 : i32
      %dma_start3A_236 = arith.constant 0 : i32
      %dma_start3A_237 = tpu.memref_slice %arg12[%dma_start3A_235, %dma_start3A_236] : memref<10112x64xf32, #tpu.memory_space<vmem_shared>> -> memref<10112x64xf32, #tpu.memory_space<vmem_shared>>
      tpu.enqueue_indirect_dma source(%arg8 : memref<128x64xf32, #tpu.memory_space<vmem>>) target(%dma_start3A_237 : memref<10112x64xf32, #tpu.memory_space<vmem_shared>>) offsets(%dma_start3A_234 : memref<128xi32, #tpu.memory_space<vmem>>) semaphore(%arg17 : memref<!tpu.dma_semaphore, #tpu.memory_space<semaphore_mem>>) {add = true}
      %mul3A_238 = arith.constant 4 : i32
      %mul3A_239 = arith.muli %mul3A_238, %scan3A_136 : i32
      %add3A_240 = arith.constant 3 : i32
      %add3A_241 = arith.addi %mul3A_239, %add3A_240 : i32
      %sub3A_242 = arith.constant 4 : i32
      %sub3A_243 = arith.subi %add3A_241, %sub3A_242 : i32
      %dma_wait3A_244 = arith.constant 0 : i32
      %dma_wait3A_245 = tpu.memref_slice %arg7[%sub3A_243, %dma_wait3A_244] : memref<80x128xi32, #tpu.memory_space<vmem>> -> memref<1x128xi32, #tpu.memory_space<vmem>>
      %dma_wait3A_246 = tpu.memref_squeeze %dma_wait3A_245 : memref<1x128xi32, #tpu.memory_space<vmem>> -> memref<128xi32, #tpu.memory_space<vmem>>
      %dma_wait3A_247 = arith.constant 0 : i32
      %dma_wait3A_248 = arith.constant 0 : i32
      %dma_wait3A_249 = tpu.memref_slice %arg12[%dma_wait3A_247, %dma_wait3A_248] : memref<10112x64xf32, #tpu.memory_space<vmem_shared>> -> memref<10112x64xf32, #tpu.memory_space<vmem_shared>>
      tpu.wait_indirect_dma semaphore(%arg20 : memref<!tpu.dma_semaphore, #tpu.memory_space<semaphore_mem>>) src(%arg11 : memref<128x64xf32, #tpu.memory_space<vmem>>) dst(%dma_wait3A_249 : memref<10112x64xf32, #tpu.memory_space<vmem_shared>>)
      %dma_start3A_250 = arith.constant 0 : i32
      %dma_start3A_251 = tpu.memref_slice %arg6[%add3A_241, %dma_start3A_250] : memref<80x128xi32, #tpu.memory_space<vmem>> -> memref<1x128xi32, #tpu.memory_space<vmem>>
      %dma_start3A_252 = tpu.memref_squeeze %dma_start3A_251 : memref<1x128xi32, #tpu.memory_space<vmem>> -> memref<128xi32, #tpu.memory_space<vmem>>
      %dma_start3A_253 = arith.constant 0 : i32
      %dma_start3A_254 = arith.constant 0 : i32
      %dma_start3A_255 = tpu.memref_slice %arg2[%dma_start3A_253, %dma_start3A_254] : memref<10000x64xf32, #tpu.memory_space<hbm>> -> memref<10000x64xf32, #tpu.memory_space<hbm>>
      tpu.enqueue_indirect_dma source(%dma_start3A_255 : memref<10000x64xf32, #tpu.memory_space<hbm>>) target(%arg11 : memref<128x64xf32, #tpu.memory_space<vmem>>) offsets(%dma_start3A_252 : memref<128xi32, #tpu.memory_space<vmem>>) semaphore(%arg16 : memref<!tpu.dma_semaphore, #tpu.memory_space<semaphore_mem>>)
      %sub3A_256 = arith.constant 2 : i32
      %sub3A_257 = arith.subi %add3A_241, %sub3A_256 : i32
      %dma_wait3A_258 = arith.constant 0 : i32
      %dma_wait3A_259 = tpu.memref_slice %arg6[%sub3A_257, %dma_wait3A_258] : memref<80x128xi32, #tpu.memory_space<vmem>> -> memref<1x128xi32, #tpu.memory_space<vmem>>
      %dma_wait3A_260 = tpu.memref_squeeze %dma_wait3A_259 : memref<1x128xi32, #tpu.memory_space<vmem>> -> memref<128xi32, #tpu.memory_space<vmem>>
      %dma_wait3A_261 = arith.constant 0 : i32
      %dma_wait3A_262 = arith.constant 0 : i32
      %dma_wait3A_263 = tpu.memref_slice %arg2[%dma_wait3A_261, %dma_wait3A_262] : memref<10000x64xf32, #tpu.memory_space<hbm>> -> memref<10000x64xf32, #tpu.memory_space<hbm>>
      tpu.wait_indirect_dma semaphore(%arg14 : memref<!tpu.dma_semaphore, #tpu.memory_space<semaphore_mem>>) src(%dma_wait3A_263 : memref<10000x64xf32, #tpu.memory_space<hbm>>) dst(%arg9 : memref<128x64xf32, #tpu.memory_space<vmem>>)
      %sub3A_264 = arith.constant 2 : i32
      %sub3A_265 = arith.subi %add3A_241, %sub3A_264 : i32
      %dma_start3A_266 = arith.constant 0 : i32
      %dma_start3A_267 = tpu.memref_slice %arg7[%sub3A_265, %dma_start3A_266] : memref<80x128xi32, #tpu.memory_space<vmem>> -> memref<1x128xi32, #tpu.memory_space<vmem>>
      %dma_start3A_268 = tpu.memref_squeeze %dma_start3A_267 : memref<1x128xi32, #tpu.memory_space<vmem>> -> memref<128xi32, #tpu.memory_space<vmem>>
      %dma_start3A_269 = arith.constant 0 : i32
      %dma_start3A_270 = arith.constant 0 : i32
      %dma_start3A_271 = tpu.memref_slice %arg12[%dma_start3A_269, %dma_start3A_270] : memref<10112x64xf32, #tpu.memory_space<vmem_shared>> -> memref<10112x64xf32, #tpu.memory_space<vmem_shared>>
      tpu.enqueue_indirect_dma source(%arg9 : memref<128x64xf32, #tpu.memory_space<vmem>>) target(%dma_start3A_271 : memref<10112x64xf32, #tpu.memory_space<vmem_shared>>) offsets(%dma_start3A_268 : memref<128xi32, #tpu.memory_space<vmem>>) semaphore(%arg18 : memref<!tpu.dma_semaphore, #tpu.memory_space<semaphore_mem>>) {add = true}
    }
    %scan3A_74 = arith.constant 19 : i32
    %dma_wait3A_75 = arith.constant 78 : i32
    %dma_wait3A_76 = arith.constant 0 : i32
    %dma_wait3A_77 = tpu.memref_slice %arg6[%dma_wait3A_75, %dma_wait3A_76] : memref<80x128xi32, #tpu.memory_space<vmem>> -> memref<1x128xi32, #tpu.memory_space<vmem>>
    %dma_wait3A_78 = tpu.memref_squeeze %dma_wait3A_77 : memref<1x128xi32, #tpu.memory_space<vmem>> -> memref<128xi32, #tpu.memory_space<vmem>>
    %dma_wait3A_79 = arith.constant 0 : i32
    %dma_wait3A_80 = arith.constant 0 : i32
    %dma_wait3A_81 = tpu.memref_slice %arg2[%dma_wait3A_79, %dma_wait3A_80] : memref<10000x64xf32, #tpu.memory_space<hbm>> -> memref<10000x64xf32, #tpu.memory_space<hbm>>
    tpu.wait_indirect_dma semaphore(%arg15 : memref<!tpu.dma_semaphore, #tpu.memory_space<semaphore_mem>>) src(%dma_wait3A_81 : memref<10000x64xf32, #tpu.memory_space<hbm>>) dst(%arg10 : memref<128x64xf32, #tpu.memory_space<vmem>>)
    %dma_start3A_82 = arith.constant 78 : i32
    %dma_start3A_83 = arith.constant 0 : i32
    %dma_start3A_84 = tpu.memref_slice %arg7[%dma_start3A_82, %dma_start3A_83] : memref<80x128xi32, #tpu.memory_space<vmem>> -> memref<1x128xi32, #tpu.memory_space<vmem>>
    %dma_start3A_85 = tpu.memref_squeeze %dma_start3A_84 : memref<1x128xi32, #tpu.memory_space<vmem>> -> memref<128xi32, #tpu.memory_space<vmem>>
    %dma_start3A_86 = arith.constant 0 : i32
    %dma_start3A_87 = arith.constant 0 : i32
    %dma_start3A_88 = tpu.memref_slice %arg12[%dma_start3A_86, %dma_start3A_87] : memref<10112x64xf32, #tpu.memory_space<vmem_shared>> -> memref<10112x64xf32, #tpu.memory_space<vmem_shared>>
    tpu.enqueue_indirect_dma source(%arg10 : memref<128x64xf32, #tpu.memory_space<vmem>>) target(%dma_start3A_88 : memref<10112x64xf32, #tpu.memory_space<vmem_shared>>) offsets(%dma_start3A_85 : memref<128xi32, #tpu.memory_space<vmem>>) semaphore(%arg19 : memref<!tpu.dma_semaphore, #tpu.memory_space<semaphore_mem>>) {add = true}
    %dma_wait3A_89 = arith.constant 79 : i32
    %dma_wait3A_90 = arith.constant 0 : i32
    %dma_wait3A_91 = tpu.memref_slice %arg6[%dma_wait3A_89, %dma_wait3A_90] : memref<80x128xi32, #tpu.memory_space<vmem>> -> memref<1x128xi32, #tpu.memory_space<vmem>>
    %dma_wait3A_92 = tpu.memref_squeeze %dma_wait3A_91 : memref<1x128xi32, #tpu.memory_space<vmem>> -> memref<128xi32, #tpu.memory_space<vmem>>
    %dma_wait3A_93 = arith.constant 0 : i32
    %dma_wait3A_94 = arith.constant 0 : i32
    %dma_wait3A_95 = tpu.memref_slice %arg2[%dma_wait3A_93, %dma_wait3A_94] : memref<10000x64xf32, #tpu.memory_space<hbm>> -> memref<10000x64xf32, #tpu.memory_space<hbm>>
    tpu.wait_indirect_dma semaphore(%arg16 : memref<!tpu.dma_semaphore, #tpu.memory_space<semaphore_mem>>) src(%dma_wait3A_95 : memref<10000x64xf32, #tpu.memory_space<hbm>>) dst(%arg11 : memref<128x64xf32, #tpu.memory_space<vmem>>)
    %dma_start3A_96 = arith.constant 79 : i32
    %dma_start3A_97 = arith.constant 0 : i32
    %dma_start3A_98 = tpu.memref_slice %arg7[%dma_start3A_96, %dma_start3A_97] : memref<80x128xi32, #tpu.memory_space<vmem>> -> memref<1x128xi32, #tpu.memory_space<vmem>>
    %dma_start3A_99 = tpu.memref_squeeze %dma_start3A_98 : memref<1x128xi32, #tpu.memory_space<vmem>> -> memref<128xi32, #tpu.memory_space<vmem>>
    %dma_start3A_100 = arith.constant 0 : i32
    %dma_start3A_101 = arith.constant 0 : i32
    %dma_start3A_102 = tpu.memref_slice %arg12[%dma_start3A_100, %dma_start3A_101] : memref<10112x64xf32, #tpu.memory_space<vmem_shared>> -> memref<10112x64xf32, #tpu.memory_space<vmem_shared>>
    tpu.enqueue_indirect_dma source(%arg11 : memref<128x64xf32, #tpu.memory_space<vmem>>) target(%dma_start3A_102 : memref<10112x64xf32, #tpu.memory_space<vmem_shared>>) offsets(%dma_start3A_99 : memref<128xi32, #tpu.memory_space<vmem>>) semaphore(%arg20 : memref<!tpu.dma_semaphore, #tpu.memory_space<semaphore_mem>>) {add = true}
    %dma_wait3A_103 = arith.constant 76 : i32
    %dma_wait3A_104 = arith.constant 0 : i32
    %dma_wait3A_105 = tpu.memref_slice %arg7[%dma_wait3A_103, %dma_wait3A_104] : memref<80x128xi32, #tpu.memory_space<vmem>> -> memref<1x128xi32, #tpu.memory_space<vmem>>
    %dma_wait3A_106 = tpu.memref_squeeze %dma_wait3A_105 : memref<1x128xi32, #tpu.memory_space<vmem>> -> memref<128xi32, #tpu.memory_space<vmem>>
    %dma_wait3A_107 = arith.constant 0 : i32
    %dma_wait3A_108 = arith.constant 0 : i32
    %dma_wait3A_109 = tpu.memref_slice %arg12[%dma_wait3A_107, %dma_wait3A_108] : memref<10112x64xf32, #tpu.memory_space<vmem_shared>> -> memref<10112x64xf32, #tpu.memory_space<vmem_shared>>
    tpu.wait_indirect_dma semaphore(%arg17 : memref<!tpu.dma_semaphore, #tpu.memory_space<semaphore_mem>>) src(%arg8 : memref<128x64xf32, #tpu.memory_space<vmem>>) dst(%dma_wait3A_109 : memref<10112x64xf32, #tpu.memory_space<vmem_shared>>)
    %dma_wait3A_110 = arith.constant 77 : i32
    %dma_wait3A_111 = arith.constant 0 : i32
    %dma_wait3A_112 = tpu.memref_slice %arg7[%dma_wait3A_110, %dma_wait3A_111] : memref<80x128xi32, #tpu.memory_space<vmem>> -> memref<1x128xi32, #tpu.memory_space<vmem>>
    %dma_wait3A_113 = tpu.memref_squeeze %dma_wait3A_112 : memref<1x128xi32, #tpu.memory_space<vmem>> -> memref<128xi32, #tpu.memory_space<vmem>>
    %dma_wait3A_114 = arith.constant 0 : i32
    %dma_wait3A_115 = arith.constant 0 : i32
    %dma_wait3A_116 = tpu.memref_slice %arg12[%dma_wait3A_114, %dma_wait3A_115] : memref<10112x64xf32, #tpu.memory_space<vmem_shared>> -> memref<10112x64xf32, #tpu.memory_space<vmem_shared>>
    tpu.wait_indirect_dma semaphore(%arg18 : memref<!tpu.dma_semaphore, #tpu.memory_space<semaphore_mem>>) src(%arg9 : memref<128x64xf32, #tpu.memory_space<vmem>>) dst(%dma_wait3A_116 : memref<10112x64xf32, #tpu.memory_space<vmem_shared>>)
    %dma_wait3A_117 = arith.constant 78 : i32
    %dma_wait3A_118 = arith.constant 0 : i32
    %dma_wait3A_119 = tpu.memref_slice %arg7[%dma_wait3A_117, %dma_wait3A_118] : memref<80x128xi32, #tpu.memory_space<vmem>> -> memref<1x128xi32, #tpu.memory_space<vmem>>
    %dma_wait3A_120 = tpu.memref_squeeze %dma_wait3A_119 : memref<1x128xi32, #tpu.memory_space<vmem>> -> memref<128xi32, #tpu.memory_space<vmem>>
    %dma_wait3A_121 = arith.constant 0 : i32
    %dma_wait3A_122 = arith.constant 0 : i32
    %dma_wait3A_123 = tpu.memref_slice %arg12[%dma_wait3A_121, %dma_wait3A_122] : memref<10112x64xf32, #tpu.memory_space<vmem_shared>> -> memref<10112x64xf32, #tpu.memory_space<vmem_shared>>
    tpu.wait_indirect_dma semaphore(%arg19 : memref<!tpu.dma_semaphore, #tpu.memory_space<semaphore_mem>>) src(%arg10 : memref<128x64xf32, #tpu.memory_space<vmem>>) dst(%dma_wait3A_123 : memref<10112x64xf32, #tpu.memory_space<vmem_shared>>)
    %dma_wait3A_124 = arith.constant 79 : i32
    %dma_wait3A_125 = arith.constant 0 : i32
    %dma_wait3A_126 = tpu.memref_slice %arg7[%dma_wait3A_124, %dma_wait3A_125] : memref<80x128xi32, #tpu.memory_space<vmem>> -> memref<1x128xi32, #tpu.memory_space<vmem>>
    %dma_wait3A_127 = tpu.memref_squeeze %dma_wait3A_126 : memref<1x128xi32, #tpu.memory_space<vmem>> -> memref<128xi32, #tpu.memory_space<vmem>>
    %dma_wait3A_128 = arith.constant 0 : i32
    %dma_wait3A_129 = arith.constant 0 : i32
    %dma_wait3A_130 = tpu.memref_slice %arg12[%dma_wait3A_128, %dma_wait3A_129] : memref<10112x64xf32, #tpu.memory_space<vmem_shared>> -> memref<10112x64xf32, #tpu.memory_space<vmem_shared>>
    tpu.wait_indirect_dma semaphore(%arg20 : memref<!tpu.dma_semaphore, #tpu.memory_space<semaphore_mem>>) src(%arg11 : memref<128x64xf32, #tpu.memory_space<vmem>>) dst(%dma_wait3A_130 : memref<10112x64xf32, #tpu.memory_space<vmem_shared>>)
    %barrier3A_131 = arith.constant 0 : index
    tpu.barrier barrier_id(%barrier3A_131)
    %mul3A_132 = arith.constant 632 : i32
    %mul3A_133 = arith.muli %arg1, %mul3A_132 : i32
    %mul3A_134 = arith.constant 632 : i32
    %mul3A_135 = arith.muli %arg1, %mul3A_134 : i32
    "tpu.region"() ({
      %run_scoped3A_136 = tpu.sem_alloc : memref<!tpu.dma_semaphore, #tpu.memory_space<semaphore_mem>>
      %dma_start3A_137 = arith.constant 0 : i32
      %dma_start3A_138 = tpu.memref_slice %arg5[%arg0, %mul3A_135, %dma_start3A_137] : memref<2x10112x64xf32, #tpu.memory_space<hbm>> -> memref<1x632x64xf32, #tpu.memory_space<hbm>>
      %dma_start3A_139 = tpu.memref_squeeze %dma_start3A_138 : memref<1x632x64xf32, #tpu.memory_space<hbm>> -> memref<632x64xf32, #tpu.memory_space<hbm>>
      %dma_start3A_140 = arith.constant 0 : i32
      %dma_start3A_141 = tpu.memref_slice %arg12[%mul3A_133, %dma_start3A_140] : memref<10112x64xf32, #tpu.memory_space<vmem_shared>> -> memref<632x64xf32, #tpu.memory_space<vmem_shared>>
      tpu.enqueue_dma source(%dma_start3A_141 : memref<632x64xf32, #tpu.memory_space<vmem_shared>>) target(%dma_start3A_139 : memref<632x64xf32, #tpu.memory_space<hbm>>) target_semaphore(%run_scoped3A_136 : memref<!tpu.dma_semaphore, #tpu.memory_space<semaphore_mem>>)
      %dma_wait3A_142 = arith.constant 0 : i32
      %dma_wait3A_143 = tpu.memref_slice %arg5[%arg0, %mul3A_135, %dma_wait3A_142] : memref<2x10112x64xf32, #tpu.memory_space<hbm>> -> memref<1x632x64xf32, #tpu.memory_space<hbm>>
      %dma_wait3A_144 = tpu.memref_squeeze %dma_wait3A_143 : memref<1x632x64xf32, #tpu.memory_space<hbm>> -> memref<632x64xf32, #tpu.memory_space<hbm>>
      %dma_wait3A_145 = arith.constant 0 : i32
      %dma_wait3A_146 = tpu.memref_slice %arg12[%mul3A_133, %dma_wait3A_145] : memref<10112x64xf32, #tpu.memory_space<vmem_shared>> -> memref<632x64xf32, #tpu.memory_space<vmem_shared>>
      tpu.wait_dma2 semaphore(%run_scoped3A_136 : memref<!tpu.dma_semaphore, #tpu.memory_space<semaphore_mem>>) src(%dma_wait3A_146 : memref<632x64xf32, #tpu.memory_space<vmem_shared>>) dst(%dma_wait3A_144 : memref<632x64xf32, #tpu.memory_space<hbm>>)
      tpu.yield
    }) : () -> ()
    return
  }
}

#map = affine_map<(d0, d1) -> (0, 0)>
#map1 = affine_map<(d0, d1) -> (0, 0, 0)>
module attributes {stable_mosaic.version = 14 : i64} {
  func.func @body(%arg0: i32, %arg1: i32, %arg2: memref<10000x64xf32, #tpu.memory_space<hbm>>, %arg3: memref<2x2560x128xi32, #tpu.memory_space<hbm>>, %arg4: memref<632x64xf32, #tpu.memory_space<hbm>>, %arg5: memref<2x10112x64xf32, #tpu.memory_space<hbm>>, %arg6: memref<80x128xi32, #tpu.memory_space<vmem>>, %arg7: memref<80x128xi32, #tpu.memory_space<vmem>>, %arg8: memref<128x64xf32, #tpu.memory_space<vmem>>, %arg9: memref<128x64xf32, #tpu.memory_space<vmem>>, %arg10: memref<128x64xf32, #tpu.memory_space<vmem>>, %arg11: memref<128x64xf32, #tpu.memory_space<vmem>>, %arg12: memref<10112x64xf32, #tpu.memory_space<vmem_shared>>, %arg13: memref<!tpu.dma_semaphore, #tpu.memory_space<semaphore_mem>>, %arg14: memref<!tpu.dma_semaphore, #tpu.memory_space<semaphore_mem>>, %arg15: memref<!tpu.dma_semaphore, #tpu.memory_space<semaphore_mem>>, %arg16: memref<!tpu.dma_semaphore, #tpu.memory_space<semaphore_mem>>, %arg17: memref<!tpu.dma_semaphore, #tpu.memory_space<semaphore_mem>>, %arg18: memref<!tpu.dma_semaphore, #tpu.memory_space<semaphore_mem>>, %arg19: memref<!tpu.dma_semaphore, #tpu.memory_space<semaphore_mem>>, %arg20: memref<!tpu.dma_semaphore, #tpu.memory_space<semaphore_mem>>) attributes {dimension_semantics = [#tpu.dimension_semantics<core_parallel>, #tpu.dimension_semantics<subcore_parallel>], iteration_bounds = array<i64: 2, 16>, scalar_prefetch = 0 : i64, scratch_operands = 15 : i64, tpu.core_type = #tpu.core_type<sc_vector_subcore>, window_params = [{transform_indices = #map}, {transform_indices = #map1}, {transform_indices = #map}, {transform_indices = #map1}]} {
    %mul3A = arith.constant 16 : i32
    %mul3A_0 = arith.muli %arg0, %mul3A : i32
    %add3A = arith.addi %mul3A_0, %arg1 : i32
    %mul3A_1 = arith.constant 632 : i32
    %mul3A_2 = arith.muli %arg1, %mul3A_1 : i32
    %min3A = arith.constant 9368 : i32
    %min3A_3 = arith.minsi %mul3A_2, %min3A : i32
    %eq3A = arith.constant 0 : i32
    %eq3A_4 = arith.cmpi eq, %arg0, %eq3A : i32
    %convert_element_type3A = arith.extui %eq3A_4 : i1 to i32
    %cond3A = arith.constant 0 : i32
    %cond3A_5 = arith.cmpi ne, %convert_element_type3A, %cond3A : i32
    scf.if %cond3A_5 {
      "tpu.region"() ({
        %run_scoped3A_136 = tpu.sem_alloc : memref<!tpu.dma_semaphore, #tpu.memory_space<semaphore_mem>>
        %dma_start3A_137 = arith.constant 0 : i32
        %dma_start3A_138 = tpu.memref_slice %arg12[%min3A_3, %dma_start3A_137] : memref<10112x64xf32, #tpu.memory_space<vmem_shared>> -> memref<632x64xf32, #tpu.memory_space<vmem_shared>>
        %dma_start3A_139 = arith.constant 0 : i32
        %dma_start3A_140 = tpu.memref_slice %arg2[%min3A_3, %dma_start3A_139] : memref<10000x64xf32, #tpu.memory_space<hbm>> -> memref<632x64xf32, #tpu.memory_space<hbm>>
        tpu.enqueue_dma source(%dma_start3A_140 : memref<632x64xf32, #tpu.memory_space<hbm>>) target(%dma_start3A_138 : memref<632x64xf32, #tpu.memory_space<vmem_shared>>) target_semaphore(%run_scoped3A_136 : memref<!tpu.dma_semaphore, #tpu.memory_space<semaphore_mem>>)
        %dma_wait3A_141 = arith.constant 0 : i32
        %dma_wait3A_142 = tpu.memref_slice %arg12[%min3A_3, %dma_wait3A_141] : memref<10112x64xf32, #tpu.memory_space<vmem_shared>> -> memref<632x64xf32, #tpu.memory_space<vmem_shared>>
        %dma_wait3A_143 = arith.constant 0 : i32
        %dma_wait3A_144 = tpu.memref_slice %arg2[%min3A_3, %dma_wait3A_143] : memref<10000x64xf32, #tpu.memory_space<hbm>> -> memref<632x64xf32, #tpu.memory_space<hbm>>
        tpu.wait_dma2 semaphore(%run_scoped3A_136 : memref<!tpu.dma_semaphore, #tpu.memory_space<semaphore_mem>>) src(%dma_wait3A_144 : memref<632x64xf32, #tpu.memory_space<hbm>>) dst(%dma_wait3A_142 : memref<632x64xf32, #tpu.memory_space<vmem_shared>>)
        tpu.yield
      }) : () -> ()
    } else {
    }
    %eq3A_6 = arith.constant 1 : i32
    %eq3A_7 = arith.cmpi eq, %arg0, %eq3A_6 : i32
    %convert_element_type3A_8 = arith.extui %eq3A_7 : i1 to i32
    %cond3A_9 = arith.constant 0 : i32
    %cond3A_10 = arith.cmpi ne, %convert_element_type3A_8, %cond3A_9 : i32
    scf.if %cond3A_10 {
      %mul3A_136 = arith.constant 632 : i32
      %mul3A_137 = arith.muli %arg1, %mul3A_136 : i32
      "tpu.region"() ({
        %run_scoped3A_138 = tpu.sem_alloc : memref<!tpu.dma_semaphore, #tpu.memory_space<semaphore_mem>>
        %dma_start3A_139 = arith.constant 0 : i32
        %dma_start3A_140 = tpu.memref_slice %arg12[%mul3A_137, %dma_start3A_139] : memref<10112x64xf32, #tpu.memory_space<vmem_shared>> -> memref<632x64xf32, #tpu.memory_space<vmem_shared>>
        %dma_start3A_141 = arith.constant 0 : i32
        %dma_start3A_142 = arith.constant 0 : i32
        %dma_start3A_143 = tpu.memref_slice %arg4[%dma_start3A_141, %dma_start3A_142] : memref<632x64xf32, #tpu.memory_space<hbm>> -> memref<632x64xf32, #tpu.memory_space<hbm>>
        tpu.enqueue_dma source(%dma_start3A_143 : memref<632x64xf32, #tpu.memory_space<hbm>>) target(%dma_start3A_140 : memref<632x64xf32, #tpu.memory_space<vmem_shared>>) target_semaphore(%run_scoped3A_138 : memref<!tpu.dma_semaphore, #tpu.memory_space<semaphore_mem>>)
        %dma_wait3A_144 = arith.constant 0 : i32
        %dma_wait3A_145 = tpu.memref_slice %arg12[%mul3A_137, %dma_wait3A_144] : memref<10112x64xf32, #tpu.memory_space<vmem_shared>> -> memref<632x64xf32, #tpu.memory_space<vmem_shared>>
        %dma_wait3A_146 = arith.constant 0 : i32
        %dma_wait3A_147 = arith.constant 0 : i32
        %dma_wait3A_148 = tpu.memref_slice %arg4[%dma_wait3A_146, %dma_wait3A_147] : memref<632x64xf32, #tpu.memory_space<hbm>> -> memref<632x64xf32, #tpu.memory_space<hbm>>
        tpu.wait_dma2 semaphore(%run_scoped3A_138 : memref<!tpu.dma_semaphore, #tpu.memory_space<semaphore_mem>>) src(%dma_wait3A_148 : memref<632x64xf32, #tpu.memory_space<hbm>>) dst(%dma_wait3A_145 : memref<632x64xf32, #tpu.memory_space<vmem_shared>>)
        tpu.yield
      }) : () -> ()
    } else {
    }
    %mul3A_11 = arith.constant 80 : i32
    %mul3A_12 = arith.muli %add3A, %mul3A_11 : i32
    %run_scoped3A = arith.constant 0 : i32
    "tpu.region"() ({
      %run_scoped3A_136 = tpu.sem_alloc : memref<!tpu.dma_semaphore, #tpu.memory_space<semaphore_mem>>
      %dma_start3A_137 = arith.constant 0 : i32
      %dma_start3A_138 = tpu.memref_slice %arg3[%run_scoped3A, %mul3A_12, %dma_start3A_137] : memref<2x2560x128xi32, #tpu.memory_space<hbm>> -> memref<1x80x128xi32, #tpu.memory_space<hbm>>
      %dma_start3A_139 = tpu.memref_squeeze %dma_start3A_138 : memref<1x80x128xi32, #tpu.memory_space<hbm>> -> memref<80x128xi32, #tpu.memory_space<hbm>>
      %dma_start3A_140 = arith.constant 0 : i32
      %dma_start3A_141 = tpu.memref_slice %arg3[%run_scoped3A, %mul3A_12, %dma_start3A_140] : memref<2x2560x128xi32, #tpu.memory_space<hbm>> -> memref<1x80x128xi32, #tpu.memory_space<hbm>>
      %dma_start3A_142 = tpu.memref_squeeze %dma_start3A_141 : memref<1x80x128xi32, #tpu.memory_space<hbm>> -> memref<80x128xi32, #tpu.memory_space<hbm>>
      tpu.enqueue_dma source(%dma_start3A_142 : memref<80x128xi32, #tpu.memory_space<hbm>>) target(%arg6 : memref<80x128xi32, #tpu.memory_space<vmem>>) target_semaphore(%run_scoped3A_136 : memref<!tpu.dma_semaphore, #tpu.memory_space<semaphore_mem>>)
      %dma_wait3A_143 = arith.constant 0 : i32
      %dma_wait3A_144 = tpu.memref_slice %arg3[%run_scoped3A, %mul3A_12, %dma_wait3A_143] : memref<2x2560x128xi32, #tpu.memory_space<hbm>> -> memref<1x80x128xi32, #tpu.memory_space<hbm>>
      %dma_wait3A_145 = tpu.memref_squeeze %dma_wait3A_144 : memref<1x80x128xi32, #tpu.memory_space<hbm>> -> memref<80x128xi32, #tpu.memory_space<hbm>>
      %dma_wait3A_146 = arith.constant 0 : i32
      %dma_wait3A_147 = tpu.memref_slice %arg3[%run_scoped3A, %mul3A_12, %dma_wait3A_146] : memref<2x2560x128xi32, #tpu.memory_space<hbm>> -> memref<1x80x128xi32, #tpu.memory_space<hbm>>
      %dma_wait3A_148 = tpu.memref_squeeze %dma_wait3A_147 : memref<1x80x128xi32, #tpu.memory_space<hbm>> -> memref<80x128xi32, #tpu.memory_space<hbm>>
      tpu.wait_dma2 semaphore(%run_scoped3A_136 : memref<!tpu.dma_semaphore, #tpu.memory_space<semaphore_mem>>) src(%dma_wait3A_148 : memref<80x128xi32, #tpu.memory_space<hbm>>) dst(%arg6 : memref<80x128xi32, #tpu.memory_space<vmem>>)
      tpu.yield
    }) : () -> ()
    %mul3A_13 = arith.constant 80 : i32
    %mul3A_14 = arith.muli %add3A, %mul3A_13 : i32
    %run_scoped3A_15 = arith.constant 1 : i32
    "tpu.region"() ({
      %run_scoped3A_136 = tpu.sem_alloc : memref<!tpu.dma_semaphore, #tpu.memory_space<semaphore_mem>>
      %dma_start3A_137 = arith.constant 0 : i32
      %dma_start3A_138 = tpu.memref_slice %arg3[%run_scoped3A_15, %mul3A_14, %dma_start3A_137] : memref<2x2560x128xi32, #tpu.memory_space<hbm>> -> memref<1x80x128xi32, #tpu.memory_space<hbm>>
      %dma_start3A_139 = tpu.memref_squeeze %dma_start3A_138 : memref<1x80x128xi32, #tpu.memory_space<hbm>> -> memref<80x128xi32, #tpu.memory_space<hbm>>
      %dma_start3A_140 = arith.constant 0 : i32
      %dma_start3A_141 = tpu.memref_slice %arg3[%run_scoped3A_15, %mul3A_14, %dma_start3A_140] : memref<2x2560x128xi32, #tpu.memory_space<hbm>> -> memref<1x80x128xi32, #tpu.memory_space<hbm>>
      %dma_start3A_142 = tpu.memref_squeeze %dma_start3A_141 : memref<1x80x128xi32, #tpu.memory_space<hbm>> -> memref<80x128xi32, #tpu.memory_space<hbm>>
      tpu.enqueue_dma source(%dma_start3A_142 : memref<80x128xi32, #tpu.memory_space<hbm>>) target(%arg7 : memref<80x128xi32, #tpu.memory_space<vmem>>) target_semaphore(%run_scoped3A_136 : memref<!tpu.dma_semaphore, #tpu.memory_space<semaphore_mem>>)
      %dma_wait3A_143 = arith.constant 0 : i32
      %dma_wait3A_144 = tpu.memref_slice %arg3[%run_scoped3A_15, %mul3A_14, %dma_wait3A_143] : memref<2x2560x128xi32, #tpu.memory_space<hbm>> -> memref<1x80x128xi32, #tpu.memory_space<hbm>>
      %dma_wait3A_145 = tpu.memref_squeeze %dma_wait3A_144 : memref<1x80x128xi32, #tpu.memory_space<hbm>> -> memref<80x128xi32, #tpu.memory_space<hbm>>
      %dma_wait3A_146 = arith.constant 0 : i32
      %dma_wait3A_147 = tpu.memref_slice %arg3[%run_scoped3A_15, %mul3A_14, %dma_wait3A_146] : memref<2x2560x128xi32, #tpu.memory_space<hbm>> -> memref<1x80x128xi32, #tpu.memory_space<hbm>>
      %dma_wait3A_148 = tpu.memref_squeeze %dma_wait3A_147 : memref<1x80x128xi32, #tpu.memory_space<hbm>> -> memref<80x128xi32, #tpu.memory_space<hbm>>
      tpu.wait_dma2 semaphore(%run_scoped3A_136 : memref<!tpu.dma_semaphore, #tpu.memory_space<semaphore_mem>>) src(%dma_wait3A_148 : memref<80x128xi32, #tpu.memory_space<hbm>>) dst(%arg7 : memref<80x128xi32, #tpu.memory_space<vmem>>)
      tpu.yield
    }) : () -> ()
    %barrier3A = arith.constant 0 : index
    tpu.barrier barrier_id(%barrier3A)
    %dma_start3A = arith.constant 0 : i32
    %dma_start3A_16 = arith.constant 0 : i32
    %dma_start3A_17 = tpu.memref_slice %arg6[%dma_start3A, %dma_start3A_16] : memref<80x128xi32, #tpu.memory_space<vmem>> -> memref<1x128xi32, #tpu.memory_space<vmem>>
    %dma_start3A_18 = tpu.memref_squeeze %dma_start3A_17 : memref<1x128xi32, #tpu.memory_space<vmem>> -> memref<128xi32, #tpu.memory_space<vmem>>
    %dma_start3A_19 = arith.constant 0 : i32
    %dma_start3A_20 = arith.constant 0 : i32
    %dma_start3A_21 = tpu.memref_slice %arg2[%dma_start3A_19, %dma_start3A_20] : memref<10000x64xf32, #tpu.memory_space<hbm>> -> memref<10000x64xf32, #tpu.memory_space<hbm>>
    tpu.enqueue_indirect_dma source(%dma_start3A_21 : memref<10000x64xf32, #tpu.memory_space<hbm>>) target(%arg8 : memref<128x64xf32, #tpu.memory_space<vmem>>) offsets(%dma_start3A_18 : memref<128xi32, #tpu.memory_space<vmem>>) semaphore(%arg13 : memref<!tpu.dma_semaphore, #tpu.memory_space<semaphore_mem>>)
    %dma_start3A_22 = arith.constant 1 : i32
    %dma_start3A_23 = arith.constant 0 : i32
    %dma_start3A_24 = tpu.memref_slice %arg6[%dma_start3A_22, %dma_start3A_23] : memref<80x128xi32, #tpu.memory_space<vmem>> -> memref<1x128xi32, #tpu.memory_space<vmem>>
    %dma_start3A_25 = tpu.memref_squeeze %dma_start3A_24 : memref<1x128xi32, #tpu.memory_space<vmem>> -> memref<128xi32, #tpu.memory_space<vmem>>
    %dma_start3A_26 = arith.constant 0 : i32
    %dma_start3A_27 = arith.constant 0 : i32
    %dma_start3A_28 = tpu.memref_slice %arg2[%dma_start3A_26, %dma_start3A_27] : memref<10000x64xf32, #tpu.memory_space<hbm>> -> memref<10000x64xf32, #tpu.memory_space<hbm>>
    tpu.enqueue_indirect_dma source(%dma_start3A_28 : memref<10000x64xf32, #tpu.memory_space<hbm>>) target(%arg9 : memref<128x64xf32, #tpu.memory_space<vmem>>) offsets(%dma_start3A_25 : memref<128xi32, #tpu.memory_space<vmem>>) semaphore(%arg14 : memref<!tpu.dma_semaphore, #tpu.memory_space<semaphore_mem>>)
    %dma_start3A_29 = arith.constant 2 : i32
    %dma_start3A_30 = arith.constant 0 : i32
    %dma_start3A_31 = tpu.memref_slice %arg6[%dma_start3A_29, %dma_start3A_30] : memref<80x128xi32, #tpu.memory_space<vmem>> -> memref<1x128xi32, #tpu.memory_space<vmem>>
    %dma_start3A_32 = tpu.memref_squeeze %dma_start3A_31 : memref<1x128xi32, #tpu.memory_space<vmem>> -> memref<128xi32, #tpu.memory_space<vmem>>
    %dma_start3A_33 = arith.constant 0 : i32
    %dma_start3A_34 = arith.constant 0 : i32
    %dma_start3A_35 = tpu.memref_slice %arg2[%dma_start3A_33, %dma_start3A_34] : memref<10000x64xf32, #tpu.memory_space<hbm>> -> memref<10000x64xf32, #tpu.memory_space<hbm>>
    tpu.enqueue_indirect_dma source(%dma_start3A_35 : memref<10000x64xf32, #tpu.memory_space<hbm>>) target(%arg10 : memref<128x64xf32, #tpu.memory_space<vmem>>) offsets(%dma_start3A_32 : memref<128xi32, #tpu.memory_space<vmem>>) semaphore(%arg15 : memref<!tpu.dma_semaphore, #tpu.memory_space<semaphore_mem>>)
    %dma_start3A_36 = arith.constant 3 : i32
    %dma_start3A_37 = arith.constant 0 : i32
    %dma_start3A_38 = tpu.memref_slice %arg6[%dma_start3A_36, %dma_start3A_37] : memref<80x128xi32, #tpu.memory_space<vmem>> -> memref<1x128xi32, #tpu.memory_space<vmem>>
    %dma_start3A_39 = tpu.memref_squeeze %dma_start3A_38 : memref<1x128xi32, #tpu.memory_space<vmem>> -> memref<128xi32, #tpu.memory_space<vmem>>
    %dma_start3A_40 = arith.constant 0 : i32
    %dma_start3A_41 = arith.constant 0 : i32
    %dma_start3A_42 = tpu.memref_slice %arg2[%dma_start3A_40, %dma_start3A_41] : memref<10000x64xf32, #tpu.memory_space<hbm>> -> memref<10000x64xf32, #tpu.memory_space<hbm>>
    tpu.enqueue_indirect_dma source(%dma_start3A_42 : memref<10000x64xf32, #tpu.memory_space<hbm>>) target(%arg11 : memref<128x64xf32, #tpu.memory_space<vmem>>) offsets(%dma_start3A_39 : memref<128xi32, #tpu.memory_space<vmem>>) semaphore(%arg16 : memref<!tpu.dma_semaphore, #tpu.memory_space<semaphore_mem>>)
    %dma_wait3A = arith.constant 0 : i32
    %dma_wait3A_43 = arith.constant 0 : i32
    %dma_wait3A_44 = tpu.memref_slice %arg6[%dma_wait3A, %dma_wait3A_43] : memref<80x128xi32, #tpu.memory_space<vmem>> -> memref<1x128xi32, #tpu.memory_space<vmem>>
    %dma_wait3A_45 = tpu.memref_squeeze %dma_wait3A_44 : memref<1x128xi32, #tpu.memory_space<vmem>> -> memref<128xi32, #tpu.memory_space<vmem>>
    %dma_wait3A_46 = arith.constant 0 : i32
    %dma_wait3A_47 = arith.constant 0 : i32
    %dma_wait3A_48 = tpu.memref_slice %arg2[%dma_wait3A_46, %dma_wait3A_47] : memref<10000x64xf32, #tpu.memory_space<hbm>> -> memref<10000x64xf32, #tpu.memory_space<hbm>>
    tpu.wait_indirect_dma semaphore(%arg13 : memref<!tpu.dma_semaphore, #tpu.memory_space<semaphore_mem>>) src(%dma_wait3A_48 : memref<10000x64xf32, #tpu.memory_space<hbm>>) dst(%arg8 : memref<128x64xf32, #tpu.memory_space<vmem>>)
    %dma_start3A_49 = arith.constant 0 : i32
    %dma_start3A_50 = arith.constant 0 : i32
    %dma_start3A_51 = tpu.memref_slice %arg7[%dma_start3A_49, %dma_start3A_50] : memref<80x128xi32, #tpu.memory_space<vmem>> -> memref<1x128xi32, #tpu.memory_space<vmem>>
    %dma_start3A_52 = tpu.memref_squeeze %dma_start3A_51 : memref<1x128xi32, #tpu.memory_space<vmem>> -> memref<128xi32, #tpu.memory_space<vmem>>
    %dma_start3A_53 = arith.constant 0 : i32
    %dma_start3A_54 = arith.constant 0 : i32
    %dma_start3A_55 = tpu.memref_slice %arg12[%dma_start3A_53, %dma_start3A_54] : memref<10112x64xf32, #tpu.memory_space<vmem_shared>> -> memref<10112x64xf32, #tpu.memory_space<vmem_shared>>
    tpu.enqueue_indirect_dma source(%arg8 : memref<128x64xf32, #tpu.memory_space<vmem>>) target(%dma_start3A_55 : memref<10112x64xf32, #tpu.memory_space<vmem_shared>>) offsets(%dma_start3A_52 : memref<128xi32, #tpu.memory_space<vmem>>) semaphore(%arg17 : memref<!tpu.dma_semaphore, #tpu.memory_space<semaphore_mem>>) {add = true}
    %dma_wait3A_56 = arith.constant 1 : i32
    %dma_wait3A_57 = arith.constant 0 : i32
    %dma_wait3A_58 = tpu.memref_slice %arg6[%dma_wait3A_56, %dma_wait3A_57] : memref<80x128xi32, #tpu.memory_space<vmem>> -> memref<1x128xi32, #tpu.memory_space<vmem>>
    %dma_wait3A_59 = tpu.memref_squeeze %dma_wait3A_58 : memref<1x128xi32, #tpu.memory_space<vmem>> -> memref<128xi32, #tpu.memory_space<vmem>>
    %dma_wait3A_60 = arith.constant 0 : i32
    %dma_wait3A_61 = arith.constant 0 : i32
    %dma_wait3A_62 = tpu.memref_slice %arg2[%dma_wait3A_60, %dma_wait3A_61] : memref<10000x64xf32, #tpu.memory_space<hbm>> -> memref<10000x64xf32, #tpu.memory_space<hbm>>
    tpu.wait_indirect_dma semaphore(%arg14 : memref<!tpu.dma_semaphore, #tpu.memory_space<semaphore_mem>>) src(%dma_wait3A_62 : memref<10000x64xf32, #tpu.memory_space<hbm>>) dst(%arg9 : memref<128x64xf32, #tpu.memory_space<vmem>>)
    %dma_start3A_63 = arith.constant 1 : i32
    %dma_start3A_64 = arith.constant 0 : i32
    %dma_start3A_65 = tpu.memref_slice %arg7[%dma_start3A_63, %dma_start3A_64] : memref<80x128xi32, #tpu.memory_space<vmem>> -> memref<1x128xi32, #tpu.memory_space<vmem>>
    %dma_start3A_66 = tpu.memref_squeeze %dma_start3A_65 : memref<1x128xi32, #tpu.memory_space<vmem>> -> memref<128xi32, #tpu.memory_space<vmem>>
    %dma_start3A_67 = arith.constant 0 : i32
    %dma_start3A_68 = arith.constant 0 : i32
    %dma_start3A_69 = tpu.memref_slice %arg12[%dma_start3A_67, %dma_start3A_68] : memref<10112x64xf32, #tpu.memory_space<vmem_shared>> -> memref<10112x64xf32, #tpu.memory_space<vmem_shared>>
    tpu.enqueue_indirect_dma source(%arg9 : memref<128x64xf32, #tpu.memory_space<vmem>>) target(%dma_start3A_69 : memref<10112x64xf32, #tpu.memory_space<vmem_shared>>) offsets(%dma_start3A_66 : memref<128xi32, #tpu.memory_space<vmem>>) semaphore(%arg18 : memref<!tpu.dma_semaphore, #tpu.memory_space<semaphore_mem>>) {add = true}
    %scan3A = arith.constant 0 : i32
    %scan3A_70 = arith.constant 1 : i32
    %scan3A_71 = arith.constant 19 : i32
    %scan3A_72 = arith.addi %scan3A_70, %scan3A_71 : i32
    %scan3A_73 = arith.constant 1 : i32
    scf.for %scan3A_136 = %scan3A_70 to %scan3A_72 step %scan3A_73  : i32 {
      %mul3A_137 = arith.constant 4 : i32
      %mul3A_138 = arith.muli %mul3A_137, %scan3A_136 : i32
      %add3A_139 = arith.constant 0 : i32
      %add3A_140 = arith.addi %mul3A_138, %add3A_139 : i32
      %sub3A = arith.constant 4 : i32
      %sub3A_141 = arith.subi %add3A_140, %sub3A : i32
      %dma_wait3A_142 = arith.constant 0 : i32
      %dma_wait3A_143 = tpu.memref_slice %arg7[%sub3A_141, %dma_wait3A_142] : memref<80x128xi32, #tpu.memory_space<vmem>> -> memref<1x128xi32, #tpu.memory_space<vmem>>
      %dma_wait3A_144 = tpu.memref_squeeze %dma_wait3A_143 : memref<1x128xi32, #tpu.memory_space<vmem>> -> memref<128xi32, #tpu.memory_space<vmem>>
      %dma_wait3A_145 = arith.constant 0 : i32
      %dma_wait3A_146 = arith.constant 0 : i32
      %dma_wait3A_147 = tpu.memref_slice %arg12[%dma_wait3A_145, %dma_wait3A_146] : memref<10112x64xf32, #tpu.memory_space<vmem_shared>> -> memref<10112x64xf32, #tpu.memory_space<vmem_shared>>
      tpu.wait_indirect_dma semaphore(%arg17 : memref<!tpu.dma_semaphore, #tpu.memory_space<semaphore_mem>>) src(%arg8 : memref<128x64xf32, #tpu.memory_space<vmem>>) dst(%dma_wait3A_147 : memref<10112x64xf32, #tpu.memory_space<vmem_shared>>)
      %dma_start3A_148 = arith.constant 0 : i32
      %dma_start3A_149 = tpu.memref_slice %arg6[%add3A_140, %dma_start3A_148] : memref<80x128xi32, #tpu.memory_space<vmem>> -> memref<1x128xi32, #tpu.memory_space<vmem>>
      %dma_start3A_150 = tpu.memref_squeeze %dma_start3A_149 : memref<1x128xi32, #tpu.memory_space<vmem>> -> memref<128xi32, #tpu.memory_space<vmem>>
      %dma_start3A_151 = arith.constant 0 : i32
      %dma_start3A_152 = arith.constant 0 : i32
      %dma_start3A_153 = tpu.memref_slice %arg2[%dma_start3A_151, %dma_start3A_152] : memref<10000x64xf32, #tpu.memory_space<hbm>> -> memref<10000x64xf32, #tpu.memory_space<hbm>>
      tpu.enqueue_indirect_dma source(%dma_start3A_153 : memref<10000x64xf32, #tpu.memory_space<hbm>>) target(%arg8 : memref<128x64xf32, #tpu.memory_space<vmem>>) offsets(%dma_start3A_150 : memref<128xi32, #tpu.memory_space<vmem>>) semaphore(%arg13 : memref<!tpu.dma_semaphore, #tpu.memory_space<semaphore_mem>>)
      %sub3A_154 = arith.constant 2 : i32
      %sub3A_155 = arith.subi %add3A_140, %sub3A_154 : i32
      %dma_wait3A_156 = arith.constant 0 : i32
      %dma_wait3A_157 = tpu.memref_slice %arg6[%sub3A_155, %dma_wait3A_156] : memref<80x128xi32, #tpu.memory_space<vmem>> -> memref<1x128xi32, #tpu.memory_space<vmem>>
      %dma_wait3A_158 = tpu.memref_squeeze %dma_wait3A_157 : memref<1x128xi32, #tpu.memory_space<vmem>> -> memref<128xi32, #tpu.memory_space<vmem>>
      %dma_wait3A_159 = arith.constant 0 : i32
      %dma_wait3A_160 = arith.constant 0 : i32
      %dma_wait3A_161 = tpu.memref_slice %arg2[%dma_wait3A_159, %dma_wait3A_160] : memref<10000x64xf32, #tpu.memory_space<hbm>> -> memref<10000x64xf32, #tpu.memory_space<hbm>>
      tpu.wait_indirect_dma semaphore(%arg15 : memref<!tpu.dma_semaphore, #tpu.memory_space<semaphore_mem>>) src(%dma_wait3A_161 : memref<10000x64xf32, #tpu.memory_space<hbm>>) dst(%arg10 : memref<128x64xf32, #tpu.memory_space<vmem>>)
      %sub3A_162 = arith.constant 2 : i32
      %sub3A_163 = arith.subi %add3A_140, %sub3A_162 : i32
      %dma_start3A_164 = arith.constant 0 : i32
      %dma_start3A_165 = tpu.memref_slice %arg7[%sub3A_163, %dma_start3A_164] : memref<80x128xi32, #tpu.memory_space<vmem>> -> memref<1x128xi32, #tpu.memory_space<vmem>>
      %dma_start3A_166 = tpu.memref_squeeze %dma_start3A_165 : memref<1x128xi32, #tpu.memory_space<vmem>> -> memref<128xi32, #tpu.memory_space<vmem>>
      %dma_start3A_167 = arith.constant 0 : i32
      %dma_start3A_168 = arith.constant 0 : i32
      %dma_start3A_169 = tpu.memref_slice %arg12[%dma_start3A_167, %dma_start3A_168] : memref<10112x64xf32, #tpu.memory_space<vmem_shared>> -> memref<10112x64xf32, #tpu.memory_space<vmem_shared>>
      tpu.enqueue_indirect_dma source(%arg10 : memref<128x64xf32, #tpu.memory_space<vmem>>) target(%dma_start3A_169 : memref<10112x64xf32, #tpu.memory_space<vmem_shared>>) offsets(%dma_start3A_166 : memref<128xi32, #tpu.memory_space<vmem>>) semaphore(%arg19 : memref<!tpu.dma_semaphore, #tpu.memory_space<semaphore_mem>>) {add = true}
      %mul3A_170 = arith.constant 4 : i32
      %mul3A_171 = arith.muli %mul3A_170, %scan3A_136 : i32
      %add3A_172 = arith.constant 1 : i32
      %add3A_173 = arith.addi %mul3A_171, %add3A_172 : i32
      %sub3A_174 = arith.constant 4 : i32
      %sub3A_175 = arith.subi %add3A_173, %sub3A_174 : i32
      %dma_wait3A_176 = arith.constant 0 : i32
      %dma_wait3A_177 = tpu.memref_slice %arg7[%sub3A_175, %dma_wait3A_176] : memref<80x128xi32, #tpu.memory_space<vmem>> -> memref<1x128xi32, #tpu.memory_space<vmem>>
      %dma_wait3A_178 = tpu.memref_squeeze %dma_wait3A_177 : memref<1x128xi32, #tpu.memory_space<vmem>> -> memref<128xi32, #tpu.memory_space<vmem>>
      %dma_wait3A_179 = arith.constant 0 : i32
      %dma_wait3A_180 = arith.constant 0 : i32
      %dma_wait3A_181 = tpu.memref_slice %arg12[%dma_wait3A_179, %dma_wait3A_180] : memref<10112x64xf32, #tpu.memory_space<vmem_shared>> -> memref<10112x64xf32, #tpu.memory_space<vmem_shared>>
      tpu.wait_indirect_dma semaphore(%arg18 : memref<!tpu.dma_semaphore, #tpu.memory_space<semaphore_mem>>) src(%arg9 : memref<128x64xf32, #tpu.memory_space<vmem>>) dst(%dma_wait3A_181 : memref<10112x64xf32, #tpu.memory_space<vmem_shared>>)
      %dma_start3A_182 = arith.constant 0 : i32
      %dma_start3A_183 = tpu.memref_slice %arg6[%add3A_173, %dma_start3A_182] : memref<80x128xi32, #tpu.memory_space<vmem>> -> memref<1x128xi32, #tpu.memory_space<vmem>>
      %dma_start3A_184 = tpu.memref_squeeze %dma_start3A_183 : memref<1x128xi32, #tpu.memory_space<vmem>> -> memref<128xi32, #tpu.memory_space<vmem>>
      %dma_start3A_185 = arith.constant 0 : i32
      %dma_start3A_186 = arith.constant 0 : i32
      %dma_start3A_187 = tpu.memref_slice %arg2[%dma_start3A_185, %dma_start3A_186] : memref<10000x64xf32, #tpu.memory_space<hbm>> -> memref<10000x64xf32, #tpu.memory_space<hbm>>
      tpu.enqueue_indirect_dma source(%dma_start3A_187 : memref<10000x64xf32, #tpu.memory_space<hbm>>) target(%arg9 : memref<128x64xf32, #tpu.memory_space<vmem>>) offsets(%dma_start3A_184 : memref<128xi32, #tpu.memory_space<vmem>>) semaphore(%arg14 : memref<!tpu.dma_semaphore, #tpu.memory_space<semaphore_mem>>)
      %sub3A_188 = arith.constant 2 : i32
      %sub3A_189 = arith.subi %add3A_173, %sub3A_188 : i32
      %dma_wait3A_190 = arith.constant 0 : i32
      %dma_wait3A_191 = tpu.memref_slice %arg6[%sub3A_189, %dma_wait3A_190] : memref<80x128xi32, #tpu.memory_space<vmem>> -> memref<1x128xi32, #tpu.memory_space<vmem>>
      %dma_wait3A_192 = tpu.memref_squeeze %dma_wait3A_191 : memref<1x128xi32, #tpu.memory_space<vmem>> -> memref<128xi32, #tpu.memory_space<vmem>>
      %dma_wait3A_193 = arith.constant 0 : i32
      %dma_wait3A_194 = arith.constant 0 : i32
      %dma_wait3A_195 = tpu.memref_slice %arg2[%dma_wait3A_193, %dma_wait3A_194] : memref<10000x64xf32, #tpu.memory_space<hbm>> -> memref<10000x64xf32, #tpu.memory_space<hbm>>
      tpu.wait_indirect_dma semaphore(%arg16 : memref<!tpu.dma_semaphore, #tpu.memory_space<semaphore_mem>>) src(%dma_wait3A_195 : memref<10000x64xf32, #tpu.memory_space<hbm>>) dst(%arg11 : memref<128x64xf32, #tpu.memory_space<vmem>>)
      %sub3A_196 = arith.constant 2 : i32
      %sub3A_197 = arith.subi %add3A_173, %sub3A_196 : i32
      %dma_start3A_198 = arith.constant 0 : i32
      %dma_start3A_199 = tpu.memref_slice %arg7[%sub3A_197, %dma_start3A_198] : memref<80x128xi32, #tpu.memory_space<vmem>> -> memref<1x128xi32, #tpu.memory_space<vmem>>
      %dma_start3A_200 = tpu.memref_squeeze %dma_start3A_199 : memref<1x128xi32, #tpu.memory_space<vmem>> -> memref<128xi32, #tpu.memory_space<vmem>>
      %dma_start3A_201 = arith.constant 0 : i32
      %dma_start3A_202 = arith.constant 0 : i32
      %dma_start3A_203 = tpu.memref_slice %arg12[%dma_start3A_201, %dma_start3A_202] : memref<10112x64xf32, #tpu.memory_space<vmem_shared>> -> memref<10112x64xf32, #tpu.memory_space<vmem_shared>>
      tpu.enqueue_indirect_dma source(%arg11 : memref<128x64xf32, #tpu.memory_space<vmem>>) target(%dma_start3A_203 : memref<10112x64xf32, #tpu.memory_space<vmem_shared>>) offsets(%dma_start3A_200 : memref<128xi32, #tpu.memory_space<vmem>>) semaphore(%arg20 : memref<!tpu.dma_semaphore, #tpu.memory_space<semaphore_mem>>) {add = true}
      %mul3A_204 = arith.constant 4 : i32
      %mul3A_205 = arith.muli %mul3A_204, %scan3A_136 : i32
      %add3A_206 = arith.constant 2 : i32
      %add3A_207 = arith.addi %mul3A_205, %add3A_206 : i32
      %sub3A_208 = arith.constant 4 : i32
      %sub3A_209 = arith.subi %add3A_207, %sub3A_208 : i32
      %dma_wait3A_210 = arith.constant 0 : i32
      %dma_wait3A_211 = tpu.memref_slice %arg7[%sub3A_209, %dma_wait3A_210] : memref<80x128xi32, #tpu.memory_space<vmem>> -> memref<1x128xi32, #tpu.memory_space<vmem>>
      %dma_wait3A_212 = tpu.memref_squeeze %dma_wait3A_211 : memref<1x128xi32, #tpu.memory_space<vmem>> -> memref<128xi32, #tpu.memory_space<vmem>>
      %dma_wait3A_213 = arith.constant 0 : i32
      %dma_wait3A_214 = arith.constant 0 : i32
      %dma_wait3A_215 = tpu.memref_slice %arg12[%dma_wait3A_213, %dma_wait3A_214] : memref<10112x64xf32, #tpu.memory_space<vmem_shared>> -> memref<10112x64xf32, #tpu.memory_space<vmem_shared>>
      tpu.wait_indirect_dma semaphore(%arg19 : memref<!tpu.dma_semaphore, #tpu.memory_space<semaphore_mem>>) src(%arg10 : memref<128x64xf32, #tpu.memory_space<vmem>>) dst(%dma_wait3A_215 : memref<10112x64xf32, #tpu.memory_space<vmem_shared>>)
      %dma_start3A_216 = arith.constant 0 : i32
      %dma_start3A_217 = tpu.memref_slice %arg6[%add3A_207, %dma_start3A_216] : memref<80x128xi32, #tpu.memory_space<vmem>> -> memref<1x128xi32, #tpu.memory_space<vmem>>
      %dma_start3A_218 = tpu.memref_squeeze %dma_start3A_217 : memref<1x128xi32, #tpu.memory_space<vmem>> -> memref<128xi32, #tpu.memory_space<vmem>>
      %dma_start3A_219 = arith.constant 0 : i32
      %dma_start3A_220 = arith.constant 0 : i32
      %dma_start3A_221 = tpu.memref_slice %arg2[%dma_start3A_219, %dma_start3A_220] : memref<10000x64xf32, #tpu.memory_space<hbm>> -> memref<10000x64xf32, #tpu.memory_space<hbm>>
      tpu.enqueue_indirect_dma source(%dma_start3A_221 : memref<10000x64xf32, #tpu.memory_space<hbm>>) target(%arg10 : memref<128x64xf32, #tpu.memory_space<vmem>>) offsets(%dma_start3A_218 : memref<128xi32, #tpu.memory_space<vmem>>) semaphore(%arg15 : memref<!tpu.dma_semaphore, #tpu.memory_space<semaphore_mem>>)
      %sub3A_222 = arith.constant 2 : i32
      %sub3A_223 = arith.subi %add3A_207, %sub3A_222 : i32
      %dma_wait3A_224 = arith.constant 0 : i32
      %dma_wait3A_225 = tpu.memref_slice %arg6[%sub3A_223, %dma_wait3A_224] : memref<80x128xi32, #tpu.memory_space<vmem>> -> memref<1x128xi32, #tpu.memory_space<vmem>>
      %dma_wait3A_226 = tpu.memref_squeeze %dma_wait3A_225 : memref<1x128xi32, #tpu.memory_space<vmem>> -> memref<128xi32, #tpu.memory_space<vmem>>
      %dma_wait3A_227 = arith.constant 0 : i32
      %dma_wait3A_228 = arith.constant 0 : i32
      %dma_wait3A_229 = tpu.memref_slice %arg2[%dma_wait3A_227, %dma_wait3A_228] : memref<10000x64xf32, #tpu.memory_space<hbm>> -> memref<10000x64xf32, #tpu.memory_space<hbm>>
      tpu.wait_indirect_dma semaphore(%arg13 : memref<!tpu.dma_semaphore, #tpu.memory_space<semaphore_mem>>) src(%dma_wait3A_229 : memref<10000x64xf32, #tpu.memory_space<hbm>>) dst(%arg8 : memref<128x64xf32, #tpu.memory_space<vmem>>)
      %sub3A_230 = arith.constant 2 : i32
      %sub3A_231 = arith.subi %add3A_207, %sub3A_230 : i32
      %dma_start3A_232 = arith.constant 0 : i32
      %dma_start3A_233 = tpu.memref_slice %arg7[%sub3A_231, %dma_start3A_232] : memref<80x128xi32, #tpu.memory_space<vmem>> -> memref<1x128xi32, #tpu.memory_space<vmem>>
      %dma_start3A_234 = tpu.memref_squeeze %dma_start3A_233 : memref<1x128xi32, #tpu.memory_space<vmem>> -> memref<128xi32, #tpu.memory_space<vmem>>
      %dma_start3A_235 = arith.constant 0 : i32
      %dma_start3A_236 = arith.constant 0 : i32
      %dma_start3A_237 = tpu.memref_slice %arg12[%dma_start3A_235, %dma_start3A_236] : memref<10112x64xf32, #tpu.memory_space<vmem_shared>> -> memref<10112x64xf32, #tpu.memory_space<vmem_shared>>
      tpu.enqueue_indirect_dma source(%arg8 : memref<128x64xf32, #tpu.memory_space<vmem>>) target(%dma_start3A_237 : memref<10112x64xf32, #tpu.memory_space<vmem_shared>>) offsets(%dma_start3A_234 : memref<128xi32, #tpu.memory_space<vmem>>) semaphore(%arg17 : memref<!tpu.dma_semaphore, #tpu.memory_space<semaphore_mem>>) {add = true}
      %mul3A_238 = arith.constant 4 : i32
      %mul3A_239 = arith.muli %mul3A_238, %scan3A_136 : i32
      %add3A_240 = arith.constant 3 : i32
      %add3A_241 = arith.addi %mul3A_239, %add3A_240 : i32
      %sub3A_242 = arith.constant 4 : i32
      %sub3A_243 = arith.subi %add3A_241, %sub3A_242 : i32
      %dma_wait3A_244 = arith.constant 0 : i32
      %dma_wait3A_245 = tpu.memref_slice %arg7[%sub3A_243, %dma_wait3A_244] : memref<80x128xi32, #tpu.memory_space<vmem>> -> memref<1x128xi32, #tpu.memory_space<vmem>>
      %dma_wait3A_246 = tpu.memref_squeeze %dma_wait3A_245 : memref<1x128xi32, #tpu.memory_space<vmem>> -> memref<128xi32, #tpu.memory_space<vmem>>
      %dma_wait3A_247 = arith.constant 0 : i32
      %dma_wait3A_248 = arith.constant 0 : i32
      %dma_wait3A_249 = tpu.memref_slice %arg12[%dma_wait3A_247, %dma_wait3A_248] : memref<10112x64xf32, #tpu.memory_space<vmem_shared>> -> memref<10112x64xf32, #tpu.memory_space<vmem_shared>>
      tpu.wait_indirect_dma semaphore(%arg20 : memref<!tpu.dma_semaphore, #tpu.memory_space<semaphore_mem>>) src(%arg11 : memref<128x64xf32, #tpu.memory_space<vmem>>) dst(%dma_wait3A_249 : memref<10112x64xf32, #tpu.memory_space<vmem_shared>>)
      %dma_start3A_250 = arith.constant 0 : i32
      %dma_start3A_251 = tpu.memref_slice %arg6[%add3A_241, %dma_start3A_250] : memref<80x128xi32, #tpu.memory_space<vmem>> -> memref<1x128xi32, #tpu.memory_space<vmem>>
      %dma_start3A_252 = tpu.memref_squeeze %dma_start3A_251 : memref<1x128xi32, #tpu.memory_space<vmem>> -> memref<128xi32, #tpu.memory_space<vmem>>
      %dma_start3A_253 = arith.constant 0 : i32
      %dma_start3A_254 = arith.constant 0 : i32
      %dma_start3A_255 = tpu.memref_slice %arg2[%dma_start3A_253, %dma_start3A_254] : memref<10000x64xf32, #tpu.memory_space<hbm>> -> memref<10000x64xf32, #tpu.memory_space<hbm>>
      tpu.enqueue_indirect_dma source(%dma_start3A_255 : memref<10000x64xf32, #tpu.memory_space<hbm>>) target(%arg11 : memref<128x64xf32, #tpu.memory_space<vmem>>) offsets(%dma_start3A_252 : memref<128xi32, #tpu.memory_space<vmem>>) semaphore(%arg16 : memref<!tpu.dma_semaphore, #tpu.memory_space<semaphore_mem>>)
      %sub3A_256 = arith.constant 2 : i32
      %sub3A_257 = arith.subi %add3A_241, %sub3A_256 : i32
      %dma_wait3A_258 = arith.constant 0 : i32
      %dma_wait3A_259 = tpu.memref_slice %arg6[%sub3A_257, %dma_wait3A_258] : memref<80x128xi32, #tpu.memory_space<vmem>> -> memref<1x128xi32, #tpu.memory_space<vmem>>
      %dma_wait3A_260 = tpu.memref_squeeze %dma_wait3A_259 : memref<1x128xi32, #tpu.memory_space<vmem>> -> memref<128xi32, #tpu.memory_space<vmem>>
      %dma_wait3A_261 = arith.constant 0 : i32
      %dma_wait3A_262 = arith.constant 0 : i32
      %dma_wait3A_263 = tpu.memref_slice %arg2[%dma_wait3A_261, %dma_wait3A_262] : memref<10000x64xf32, #tpu.memory_space<hbm>> -> memref<10000x64xf32, #tpu.memory_space<hbm>>
      tpu.wait_indirect_dma semaphore(%arg14 : memref<!tpu.dma_semaphore, #tpu.memory_space<semaphore_mem>>) src(%dma_wait3A_263 : memref<10000x64xf32, #tpu.memory_space<hbm>>) dst(%arg9 : memref<128x64xf32, #tpu.memory_space<vmem>>)
      %sub3A_264 = arith.constant 2 : i32
      %sub3A_265 = arith.subi %add3A_241, %sub3A_264 : i32
      %dma_start3A_266 = arith.constant 0 : i32
      %dma_start3A_267 = tpu.memref_slice %arg7[%sub3A_265, %dma_start3A_266] : memref<80x128xi32, #tpu.memory_space<vmem>> -> memref<1x128xi32, #tpu.memory_space<vmem>>
      %dma_start3A_268 = tpu.memref_squeeze %dma_start3A_267 : memref<1x128xi32, #tpu.memory_space<vmem>> -> memref<128xi32, #tpu.memory_space<vmem>>
      %dma_start3A_269 = arith.constant 0 : i32
      %dma_start3A_270 = arith.constant 0 : i32
      %dma_start3A_271 = tpu.memref_slice %arg12[%dma_start3A_269, %dma_start3A_270] : memref<10112x64xf32, #tpu.memory_space<vmem_shared>> -> memref<10112x64xf32, #tpu.memory_space<vmem_shared>>
      tpu.enqueue_indirect_dma source(%arg9 : memref<128x64xf32, #tpu.memory_space<vmem>>) target(%dma_start3A_271 : memref<10112x64xf32, #tpu.memory_space<vmem_shared>>) offsets(%dma_start3A_268 : memref<128xi32, #tpu.memory_space<vmem>>) semaphore(%arg18 : memref<!tpu.dma_semaphore, #tpu.memory_space<semaphore_mem>>) {add = true}
    }
    %scan3A_74 = arith.constant 19 : i32
    %dma_wait3A_75 = arith.constant 78 : i32
    %dma_wait3A_76 = arith.constant 0 : i32
    %dma_wait3A_77 = tpu.memref_slice %arg6[%dma_wait3A_75, %dma_wait3A_76] : memref<80x128xi32, #tpu.memory_space<vmem>> -> memref<1x128xi32, #tpu.memory_space<vmem>>
    %dma_wait3A_78 = tpu.memref_squeeze %dma_wait3A_77 : memref<1x128xi32, #tpu.memory_space<vmem>> -> memref<128xi32, #tpu.memory_space<vmem>>
    %dma_wait3A_79 = arith.constant 0 : i32
    %dma_wait3A_80 = arith.constant 0 : i32
    %dma_wait3A_81 = tpu.memref_slice %arg2[%dma_wait3A_79, %dma_wait3A_80] : memref<10000x64xf32, #tpu.memory_space<hbm>> -> memref<10000x64xf32, #tpu.memory_space<hbm>>
    tpu.wait_indirect_dma semaphore(%arg15 : memref<!tpu.dma_semaphore, #tpu.memory_space<semaphore_mem>>) src(%dma_wait3A_81 : memref<10000x64xf32, #tpu.memory_space<hbm>>) dst(%arg10 : memref<128x64xf32, #tpu.memory_space<vmem>>)
    %dma_start3A_82 = arith.constant 78 : i32
    %dma_start3A_83 = arith.constant 0 : i32
    %dma_start3A_84 = tpu.memref_slice %arg7[%dma_start3A_82, %dma_start3A_83] : memref<80x128xi32, #tpu.memory_space<vmem>> -> memref<1x128xi32, #tpu.memory_space<vmem>>
    %dma_start3A_85 = tpu.memref_squeeze %dma_start3A_84 : memref<1x128xi32, #tpu.memory_space<vmem>> -> memref<128xi32, #tpu.memory_space<vmem>>
    %dma_start3A_86 = arith.constant 0 : i32
    %dma_start3A_87 = arith.constant 0 : i32
    %dma_start3A_88 = tpu.memref_slice %arg12[%dma_start3A_86, %dma_start3A_87] : memref<10112x64xf32, #tpu.memory_space<vmem_shared>> -> memref<10112x64xf32, #tpu.memory_space<vmem_shared>>
    tpu.enqueue_indirect_dma source(%arg10 : memref<128x64xf32, #tpu.memory_space<vmem>>) target(%dma_start3A_88 : memref<10112x64xf32, #tpu.memory_space<vmem_shared>>) offsets(%dma_start3A_85 : memref<128xi32, #tpu.memory_space<vmem>>) semaphore(%arg19 : memref<!tpu.dma_semaphore, #tpu.memory_space<semaphore_mem>>) {add = true}
    %dma_wait3A_89 = arith.constant 79 : i32
    %dma_wait3A_90 = arith.constant 0 : i32
    %dma_wait3A_91 = tpu.memref_slice %arg6[%dma_wait3A_89, %dma_wait3A_90] : memref<80x128xi32, #tpu.memory_space<vmem>> -> memref<1x128xi32, #tpu.memory_space<vmem>>
    %dma_wait3A_92 = tpu.memref_squeeze %dma_wait3A_91 : memref<1x128xi32, #tpu.memory_space<vmem>> -> memref<128xi32, #tpu.memory_space<vmem>>
    %dma_wait3A_93 = arith.constant 0 : i32
    %dma_wait3A_94 = arith.constant 0 : i32
    %dma_wait3A_95 = tpu.memref_slice %arg2[%dma_wait3A_93, %dma_wait3A_94] : memref<10000x64xf32, #tpu.memory_space<hbm>> -> memref<10000x64xf32, #tpu.memory_space<hbm>>
    tpu.wait_indirect_dma semaphore(%arg16 : memref<!tpu.dma_semaphore, #tpu.memory_space<semaphore_mem>>) src(%dma_wait3A_95 : memref<10000x64xf32, #tpu.memory_space<hbm>>) dst(%arg11 : memref<128x64xf32, #tpu.memory_space<vmem>>)
    %dma_start3A_96 = arith.constant 79 : i32
    %dma_start3A_97 = arith.constant 0 : i32
    %dma_start3A_98 = tpu.memref_slice %arg7[%dma_start3A_96, %dma_start3A_97] : memref<80x128xi32, #tpu.memory_space<vmem>> -> memref<1x128xi32, #tpu.memory_space<vmem>>
    %dma_start3A_99 = tpu.memref_squeeze %dma_start3A_98 : memref<1x128xi32, #tpu.memory_space<vmem>> -> memref<128xi32, #tpu.memory_space<vmem>>
    %dma_start3A_100 = arith.constant 0 : i32
    %dma_start3A_101 = arith.constant 0 : i32
    %dma_start3A_102 = tpu.memref_slice %arg12[%dma_start3A_100, %dma_start3A_101] : memref<10112x64xf32, #tpu.memory_space<vmem_shared>> -> memref<10112x64xf32, #tpu.memory_space<vmem_shared>>
    tpu.enqueue_indirect_dma source(%arg11 : memref<128x64xf32, #tpu.memory_space<vmem>>) target(%dma_start3A_102 : memref<10112x64xf32, #tpu.memory_space<vmem_shared>>) offsets(%dma_start3A_99 : memref<128xi32, #tpu.memory_space<vmem>>) semaphore(%arg20 : memref<!tpu.dma_semaphore, #tpu.memory_space<semaphore_mem>>) {add = true}
    %dma_wait3A_103 = arith.constant 76 : i32
    %dma_wait3A_104 = arith.constant 0 : i32
    %dma_wait3A_105 = tpu.memref_slice %arg7[%dma_wait3A_103, %dma_wait3A_104] : memref<80x128xi32, #tpu.memory_space<vmem>> -> memref<1x128xi32, #tpu.memory_space<vmem>>
    %dma_wait3A_106 = tpu.memref_squeeze %dma_wait3A_105 : memref<1x128xi32, #tpu.memory_space<vmem>> -> memref<128xi32, #tpu.memory_space<vmem>>
    %dma_wait3A_107 = arith.constant 0 : i32
    %dma_wait3A_108 = arith.constant 0 : i32
    %dma_wait3A_109 = tpu.memref_slice %arg12[%dma_wait3A_107, %dma_wait3A_108] : memref<10112x64xf32, #tpu.memory_space<vmem_shared>> -> memref<10112x64xf32, #tpu.memory_space<vmem_shared>>
    tpu.wait_indirect_dma semaphore(%arg17 : memref<!tpu.dma_semaphore, #tpu.memory_space<semaphore_mem>>) src(%arg8 : memref<128x64xf32, #tpu.memory_space<vmem>>) dst(%dma_wait3A_109 : memref<10112x64xf32, #tpu.memory_space<vmem_shared>>)
    %dma_wait3A_110 = arith.constant 77 : i32
    %dma_wait3A_111 = arith.constant 0 : i32
    %dma_wait3A_112 = tpu.memref_slice %arg7[%dma_wait3A_110, %dma_wait3A_111] : memref<80x128xi32, #tpu.memory_space<vmem>> -> memref<1x128xi32, #tpu.memory_space<vmem>>
    %dma_wait3A_113 = tpu.memref_squeeze %dma_wait3A_112 : memref<1x128xi32, #tpu.memory_space<vmem>> -> memref<128xi32, #tpu.memory_space<vmem>>
    %dma_wait3A_114 = arith.constant 0 : i32
    %dma_wait3A_115 = arith.constant 0 : i32
    %dma_wait3A_116 = tpu.memref_slice %arg12[%dma_wait3A_114, %dma_wait3A_115] : memref<10112x64xf32, #tpu.memory_space<vmem_shared>> -> memref<10112x64xf32, #tpu.memory_space<vmem_shared>>
    tpu.wait_indirect_dma semaphore(%arg18 : memref<!tpu.dma_semaphore, #tpu.memory_space<semaphore_mem>>) src(%arg9 : memref<128x64xf32, #tpu.memory_space<vmem>>) dst(%dma_wait3A_116 : memref<10112x64xf32, #tpu.memory_space<vmem_shared>>)
    %dma_wait3A_117 = arith.constant 78 : i32
    %dma_wait3A_118 = arith.constant 0 : i32
    %dma_wait3A_119 = tpu.memref_slice %arg7[%dma_wait3A_117, %dma_wait3A_118] : memref<80x128xi32, #tpu.memory_space<vmem>> -> memref<1x128xi32, #tpu.memory_space<vmem>>
    %dma_wait3A_120 = tpu.memref_squeeze %dma_wait3A_119 : memref<1x128xi32, #tpu.memory_space<vmem>> -> memref<128xi32, #tpu.memory_space<vmem>>
    %dma_wait3A_121 = arith.constant 0 : i32
    %dma_wait3A_122 = arith.constant 0 : i32
    %dma_wait3A_123 = tpu.memref_slice %arg12[%dma_wait3A_121, %dma_wait3A_122] : memref<10112x64xf32, #tpu.memory_space<vmem_shared>> -> memref<10112x64xf32, #tpu.memory_space<vmem_shared>>
    tpu.wait_indirect_dma semaphore(%arg19 : memref<!tpu.dma_semaphore, #tpu.memory_space<semaphore_mem>>) src(%arg10 : memref<128x64xf32, #tpu.memory_space<vmem>>) dst(%dma_wait3A_123 : memref<10112x64xf32, #tpu.memory_space<vmem_shared>>)
    %dma_wait3A_124 = arith.constant 79 : i32
    %dma_wait3A_125 = arith.constant 0 : i32
    %dma_wait3A_126 = tpu.memref_slice %arg7[%dma_wait3A_124, %dma_wait3A_125] : memref<80x128xi32, #tpu.memory_space<vmem>> -> memref<1x128xi32, #tpu.memory_space<vmem>>
    %dma_wait3A_127 = tpu.memref_squeeze %dma_wait3A_126 : memref<1x128xi32, #tpu.memory_space<vmem>> -> memref<128xi32, #tpu.memory_space<vmem>>
    %dma_wait3A_128 = arith.constant 0 : i32
    %dma_wait3A_129 = arith.constant 0 : i32
    %dma_wait3A_130 = tpu.memref_slice %arg12[%dma_wait3A_128, %dma_wait3A_129] : memref<10112x64xf32, #tpu.memory_space<vmem_shared>> -> memref<10112x64xf32, #tpu.memory_space<vmem_shared>>
    tpu.wait_indirect_dma semaphore(%arg20 : memref<!tpu.dma_semaphore, #tpu.memory_space<semaphore_mem>>) src(%arg11 : memref<128x64xf32, #tpu.memory_space<vmem>>) dst(%dma_wait3A_130 : memref<10112x64xf32, #tpu.memory_space<vmem_shared>>)
    %barrier3A_131 = arith.constant 0 : index
    tpu.barrier barrier_id(%barrier3A_131)
    %mul3A_132 = arith.constant 632 : i32
    %mul3A_133 = arith.muli %arg1, %mul3A_132 : i32
    %mul3A_134 = arith.constant 632 : i32
    %mul3A_135 = arith.muli %arg1, %mul3A_134 : i32
    "tpu.region"() ({
      %run_scoped3A_136 = tpu.sem_alloc : memref<!tpu.dma_semaphore, #tpu.memory_space<semaphore_mem>>
      %dma_start3A_137 = arith.constant 0 : i32
      %dma_start3A_138 = tpu.memref_slice %arg5[%arg0, %mul3A_135, %dma_start3A_137] : memref<2x10112x64xf32, #tpu.memory_space<hbm>> -> memref<1x632x64xf32, #tpu.memory_space<hbm>>
      %dma_start3A_139 = tpu.memref_squeeze %dma_start3A_138 : memref<1x632x64xf32, #tpu.memory_space<hbm>> -> memref<632x64xf32, #tpu.memory_space<hbm>>
      %dma_start3A_140 = arith.constant 0 : i32
      %dma_start3A_141 = tpu.memref_slice %arg12[%mul3A_133, %dma_start3A_140] : memref<10112x64xf32, #tpu.memory_space<vmem_shared>> -> memref<632x64xf32, #tpu.memory_space<vmem_shared>>
      tpu.enqueue_dma source(%dma_start3A_141 : memref<632x64xf32, #tpu.memory_space<vmem_shared>>) target(%dma_start3A_139 : memref<632x64xf32, #tpu.memory_space<hbm>>) target_semaphore(%run_scoped3A_136 : memref<!tpu.dma_semaphore, #tpu.memory_space<semaphore_mem>>)
      %dma_wait3A_142 = arith.constant 0 : i32
      %dma_wait3A_143 = tpu.memref_slice %arg5[%arg0, %mul3A_135, %dma_wait3A_142] : memref<2x10112x64xf32, #tpu.memory_space<hbm>> -> memref<1x632x64xf32, #tpu.memory_space<hbm>>
      %dma_wait3A_144 = tpu.memref_squeeze %dma_wait3A_143 : memref<1x632x64xf32, #tpu.memory_space<hbm>> -> memref<632x64xf32, #tpu.memory_space<hbm>>
      %dma_wait3A_145 = arith.constant 0 : i32
      %dma_wait3A_146 = tpu.memref_slice %arg12[%mul3A_133, %dma_wait3A_145] : memref<10112x64xf32, #tpu.memory_space<vmem_shared>> -> memref<632x64xf32, #tpu.memory_space<vmem_shared>>
      tpu.wait_dma2 semaphore(%run_scoped3A_136 : memref<!tpu.dma_semaphore, #tpu.memory_space<semaphore_mem>>) src(%dma_wait3A_146 : memref<632x64xf32, #tpu.memory_space<vmem_shared>>) dst(%dma_wait3A_144 : memref<632x64xf32, #tpu.memory_space<hbm>>)
      tpu.yield
    }) : () -> ()
    return
  }
}

module attributes {stable_mosaic.version = 14 : i64} {
  func.func @body(%arg0: i32, %arg1: memref<1000x128xf32, #tpu.memory_space<vmem>>, %arg2: memref<128x64xf32, #tpu.memory_space<vmem>>, %arg3: memref<1000x64xf32, #tpu.memory_space<vmem>>) attributes {dimension_semantics = [#tpu.dimension_semantics<arbitrary>], iteration_bounds = array<i64: 10>, scalar_prefetch = 0 : i64, scratch_operands = 0 : i64, tpu.core_type = #tpu.core_type<tc>, window_params = [{transform_indices = @transform_0, window_bounds = array<i64: 1000, 128>}, {pipeline_mode = #tpu.pipeline_mode<synchronous>, transform_indices = @transform_1, window_bounds = array<i64: 128, 64>}, {transform_indices = @transform_2, window_bounds = array<i64: 1000, 64>}]} {
    %get3A = arith.constant 0 : index
    %get3A_0 = arith.constant 0 : index
    %get3A_1 = vector.load %arg1[%get3A, %get3A_0] : memref<1000x128xf32, #tpu.memory_space<vmem>>, vector<1000x128xf32>
    %get3A_2 = arith.constant 0 : index
    %get3A_3 = arith.constant 0 : index
    %get3A_4 = vector.load %arg2[%get3A_2, %get3A_3] : memref<128x64xf32, #tpu.memory_space<vmem>>, vector<128x64xf32>
    %dot_general3A = arith.constant dense<0.000000e+00> : vector<1000x64xf32>
    %dot_general3A_5 = tpu.matmul %get3A_1, %get3A_4, %dot_general3A {dimension_numbers = #tpu.dot_dimension_numbers<[1], [0], [0], [1], [0, 0, 1, 1], [], []>, transpose_lhs_hint = false} : vector<1000x128xf32>, vector<128x64xf32>, vector<1000x64xf32> -> vector<1000x64xf32>
    %swap3A = arith.constant 0 : index
    %swap3A_6 = arith.constant 0 : index
    %swap3A_7 = vector.load %arg3[%swap3A, %swap3A_6] : memref<1000x64xf32, #tpu.memory_space<vmem>>, vector<1000x64xf32>
    tpu.vector_store %arg3[%swap3A, %swap3A_6], %dot_general3A_5 {strides = array<i32>} : memref<1000x64xf32, #tpu.memory_space<vmem>>, vector<1000x64xf32>,
    return
  }
  func.func @transform_0(%arg0: i32) -> (i32, i32) {
    %c0_i32 = arith.constant 0 : i32
    %c0_i32_0 = arith.constant 0 : i32
    return %arg0, %c0_i32 : i32, i32
  }
  func.func @transform_1(%arg0: i32) -> (i32, i32) {
    %c0_i32 = arith.constant 0 : i32
    %c0_i32_0 = arith.constant 0 : i32
    %c0_i32_1 = arith.constant 0 : i32
    return %c0_i32, %c0_i32_0 : i32, i32
  }
  func.func @transform_2(%arg0: i32) -> (i32, i32) {
    %c0_i32 = arith.constant 0 : i32
    %c0_i32_0 = arith.constant 0 : i32
    return %arg0, %c0_i32 : i32, i32
  }
}

module attributes {stable_mosaic.version = 14 : i64} {
  func.func @body(%arg0: i32, %arg1: memref<1000x64xf32, #tpu.memory_space<vmem>>, %arg2: memref<1000x1xf32, #tpu.memory_space<vmem>>, %arg3: memref<1000x64xf32, #tpu.memory_space<vmem>>) attributes {dimension_semantics = [#tpu.dimension_semantics<arbitrary>], iteration_bounds = array<i64: 10>, scalar_prefetch = 0 : i64, scratch_operands = 0 : i64, tpu.core_type = #tpu.core_type<tc>, window_params = [{transform_indices = @transform_0, window_bounds = array<i64: 1000, 64>}, {transform_indices = @transform_1, window_bounds = array<i64: 1000, 1>}, {transform_indices = @transform_2, window_bounds = array<i64: 1000, 64>}]} {
    %get3A = arith.constant 0 : index
    %get3A_0 = arith.constant 0 : index
    %get3A_1 = vector.load %arg2[%get3A, %get3A_0] : memref<1000x1xf32, #tpu.memory_space<vmem>>, vector<1000x1xf32>
    %add3A = arith.constant 1.000000e+00 : f32
    %add3A_2 = vector.broadcast %add3A : f32 to vector<1000x1xf32>
    %add3A_3 = arith.addf %get3A_1, %add3A_2 : vector<1000x1xf32>
    %rsqrt3A = math.rsqrt %add3A_3 : vector<1000x1xf32>
    %get3A_4 = arith.constant 0 : index
    %get3A_5 = arith.constant 0 : index
    %get3A_6 = vector.load %arg1[%get3A_4, %get3A_5] : memref<1000x64xf32, #tpu.memory_space<vmem>>, vector<1000x64xf32>
    %mul3A = vector.broadcast %rsqrt3A : vector<1000x1xf32> to vector<1000x64xf32>
    %mul3A_7 = arith.mulf %get3A_6, %mul3A : vector<1000x64xf32>
    %swap3A = arith.constant 0 : index
    %swap3A_8 = arith.constant 0 : index
    %swap3A_9 = vector.load %arg3[%swap3A, %swap3A_8] : memref<1000x64xf32, #tpu.memory_space<vmem>>, vector<1000x64xf32>
    tpu.vector_store %arg3[%swap3A, %swap3A_8], %mul3A_7 {strides = array<i32>} : memref<1000x64xf32, #tpu.memory_space<vmem>>, vector<1000x64xf32>,
    return
  }
  func.func @transform_0(%arg0: i32) -> (i32, i32) {
    %c0_i32 = arith.constant 0 : i32
    %c0_i32_0 = arith.constant 0 : i32
    return %arg0, %c0_i32 : i32, i32
  }
  func.func @transform_1(%arg0: i32) -> (i32, i32) {
    %c0_i32 = arith.constant 0 : i32
    %c0_i32_0 = arith.constant 0 : i32
    return %arg0, %c0_i32 : i32, i32
  }
  func.func @transform_2(%arg0: i32) -> (i32, i32) {
    %c0_i32 = arith.constant 0 : i32
    %c0_i32_0 = arith.constant 0 : i32
    return %arg0, %c0_i32 : i32, i32
  }
}

module attributes {stable_mosaic.version = 14 : i64} {
  func.func @body(%arg0: i32, %arg1: memref<2x1000x64xf32, #tpu.memory_space<vmem>>, %arg2: memref<1000x1xf32, #tpu.memory_space<vmem>>, %arg3: memref<1x64xf32, #tpu.memory_space<vmem>>, %arg4: memref<64x64xf32, #tpu.memory_space<vmem>>, %arg5: memref<1000x64xf32, #tpu.memory_space<vmem>>) attributes {dimension_semantics = [#tpu.dimension_semantics<arbitrary>], iteration_bounds = array<i64: 10>, scalar_prefetch = 0 : i64, scratch_operands = 0 : i64, tpu.core_type = #tpu.core_type<tc>, window_params = [{transform_indices = @transform_0, window_bounds = array<i64: 2, 1000, 64>}, {transform_indices = @transform_1, window_bounds = array<i64: 1000, 1>}, {pipeline_mode = #tpu.pipeline_mode<synchronous>, transform_indices = @transform_2, window_bounds = array<i64: 1, 64>}, {pipeline_mode = #tpu.pipeline_mode<synchronous>, transform_indices = @transform_3, window_bounds = array<i64: 64, 64>}, {transform_indices = @transform_4, window_bounds = array<i64: 1000, 64>}]} {
    %get3A = arith.constant 0 : index
    %get3A_0 = arith.constant 0 : index
    %get3A_1 = vector.load %arg2[%get3A, %get3A_0] : memref<1000x1xf32, #tpu.memory_space<vmem>>, vector<1000x1xf32>
    %add3A = arith.constant 1.000000e+00 : f32
    %add3A_2 = vector.broadcast %add3A : f32 to vector<1000x1xf32>
    %add3A_3 = arith.addf %get3A_1, %add3A_2 : vector<1000x1xf32>
    %rsqrt3A = math.rsqrt %add3A_3 : vector<1000x1xf32>
    %get3A_4 = arith.constant 0 : index
    %get3A_5 = arith.constant 0 : index
    %get3A_6 = arith.constant 0 : index
    %get3A_7 = vector.load %arg1[%get3A_4, %get3A_5, %get3A_6] : memref<2x1000x64xf32, #tpu.memory_space<vmem>>, vector<2x1000x64xf32>
    %slice3A = vector.extract_strided_slice %get3A_7 {offsets = [0, 0, 0], sizes = [1, 1000, 64], strides = [1, 1, 1]} : vector<2x1000x64xf32> to vector<1x1000x64xf32>
    %squeeze3A = vector.shape_cast %slice3A : vector<1x1000x64xf32> to vector<1000x64xf32>
    %slice3A_8 = vector.extract_strided_slice %get3A_7 {offsets = [1, 0, 0], sizes = [1, 1000, 64], strides = [1, 1, 1]} : vector<2x1000x64xf32> to vector<1x1000x64xf32>
    %squeeze3A_9 = vector.shape_cast %slice3A_8 : vector<1x1000x64xf32> to vector<1000x64xf32>
    %add3A_10 = arith.addf %squeeze3A, %squeeze3A_9 : vector<1000x64xf32>
    %mul3A = vector.broadcast %rsqrt3A : vector<1000x1xf32> to vector<1000x64xf32>
    %mul3A_11 = arith.mulf %add3A_10, %mul3A : vector<1000x64xf32>
    %get3A_12 = arith.constant 0 : index
    %get3A_13 = arith.constant 0 : index
    %get3A_14 = vector.load %arg3[%get3A_12, %get3A_13] : memref<1x64xf32, #tpu.memory_space<vmem>>, vector<1x64xf32>
    %add3A_15 = vector.broadcast %get3A_14 : vector<1x64xf32> to vector<1000x64xf32>
    %add3A_16 = arith.addf %mul3A_11, %add3A_15 : vector<1000x64xf32>
    %max3A = arith.constant 0.000000e+00 : f32
    %max3A_17 = vector.broadcast %max3A : f32 to vector<1000x64xf32>
    %max3A_18 = arith.maximumf %add3A_16, %max3A_17 : vector<1000x64xf32>
    %get3A_19 = arith.constant 0 : index
    %get3A_20 = arith.constant 0 : index
    %get3A_21 = vector.load %arg4[%get3A_19, %get3A_20] : memref<64x64xf32, #tpu.memory_space<vmem>>, vector<64x64xf32>
    %dot_general3A = arith.constant dense<0.000000e+00> : vector<1000x64xf32>
    %dot_general3A_22 = tpu.matmul %max3A_18, %get3A_21, %dot_general3A {dimension_numbers = #tpu.dot_dimension_numbers<[1], [0], [0], [1], [0, 0, 1, 1], [], []>, transpose_lhs_hint = false} : vector<1000x64xf32>, vector<64x64xf32>, vector<1000x64xf32> -> vector<1000x64xf32>
    %mul3A_23 = vector.broadcast %rsqrt3A : vector<1000x1xf32> to vector<1000x64xf32>
    %mul3A_24 = arith.mulf %dot_general3A_22, %mul3A_23 : vector<1000x64xf32>
    %swap3A = arith.constant 0 : index
    %swap3A_25 = arith.constant 0 : index
    %swap3A_26 = vector.load %arg5[%swap3A, %swap3A_25] : memref<1000x64xf32, #tpu.memory_space<vmem>>, vector<1000x64xf32>
    tpu.vector_store %arg5[%swap3A, %swap3A_25], %mul3A_24 {strides = array<i32>} : memref<1000x64xf32, #tpu.memory_space<vmem>>, vector<1000x64xf32>,
    return
  }
  func.func @transform_0(%arg0: i32) -> (i32, i32, i32) {
    %c0_i32 = arith.constant 0 : i32
    %c0_i32_0 = arith.constant 0 : i32
    %c0_i32_1 = arith.constant 0 : i32
    return %c0_i32, %arg0, %c0_i32_0 : i32, i32, i32
  }
  func.func @transform_1(%arg0: i32) -> (i32, i32) {
    %c0_i32 = arith.constant 0 : i32
    %c0_i32_0 = arith.constant 0 : i32
    return %arg0, %c0_i32 : i32, i32
  }
  func.func @transform_2(%arg0: i32) -> (i32, i32) {
    %c0_i32 = arith.constant 0 : i32
    %c0_i32_0 = arith.constant 0 : i32
    %c0_i32_1 = arith.constant 0 : i32
    return %c0_i32, %c0_i32_0 : i32, i32
  }
  func.func @transform_3(%arg0: i32) -> (i32, i32) {
    %c0_i32 = arith.constant 0 : i32
    %c0_i32_0 = arith.constant 0 : i32
    %c0_i32_1 = arith.constant 0 : i32
    return %c0_i32, %c0_i32_0 : i32, i32
  }
  func.func @transform_4(%arg0: i32) -> (i32, i32) {
    %c0_i32 = arith.constant 0 : i32
    %c0_i32_0 = arith.constant 0 : i32
    return %arg0, %c0_i32 : i32, i32
  }
}

module attributes {stable_mosaic.version = 14 : i64} {
  func.func @body(%arg0: i32, %arg1: memref<2x1000x64xf32, #tpu.memory_space<vmem>>, %arg2: memref<1000x1xf32, #tpu.memory_space<vmem>>, %arg3: memref<1x64xf32, #tpu.memory_space<vmem>>, %arg4: memref<1x64xf32, #tpu.memory_space<vmem>>, %arg5: memref<1x1xf32, #tpu.memory_space<vmem>>, %arg6: memref<1000x1xi32, #tpu.memory_space<vmem>>, %arg7: memref<1x128xf32, #tpu.memory_space<vmem>>, %arg8: memref<1x128xf32, #tpu.memory_space<vmem>>, %arg9: memref<1x128xf32, #tpu.memory_space<vmem>>) attributes {dimension_semantics = [#tpu.dimension_semantics<arbitrary>], iteration_bounds = array<i64: 10>, scalar_prefetch = 0 : i64, scratch_operands = 2 : i64, tpu.core_type = #tpu.core_type<tc>, window_params = [{transform_indices = @transform_0, window_bounds = array<i64: 2, 1000, 64>}, {transform_indices = @transform_1, window_bounds = array<i64: 1000, 1>}, {pipeline_mode = #tpu.pipeline_mode<synchronous>, transform_indices = @transform_2, window_bounds = array<i64: 1, 64>}, {pipeline_mode = #tpu.pipeline_mode<synchronous>, transform_indices = @transform_3, window_bounds = array<i64: 1, 64>}, {pipeline_mode = #tpu.pipeline_mode<synchronous>, transform_indices = @transform_4, window_bounds = array<i64: 1, 1>}, {transform_indices = @transform_5, window_bounds = array<i64: 1000, 1>}, {pipeline_mode = #tpu.pipeline_mode<synchronous>, transform_indices = @transform_6, window_bounds = array<i64: 1, 128>}]} {
    %eq3A = arith.constant 0 : i32
    %eq3A_0 = arith.cmpi eq, %arg0, %eq3A : i32
    %convert_element_type3A = arith.extui %eq3A_0 : i1 to i32
    %cond3A = arith.constant 0 : i32
    %cond3A_1 = arith.cmpi ne, %convert_element_type3A, %cond3A : i32
    scf.if %cond3A_1 {
      %broadcast_in_dim3A_65 = arith.constant 0.000000e+00 : f32
      %broadcast_in_dim3A_66 = vector.broadcast %broadcast_in_dim3A_65 : f32 to vector<1x128xf32>
      %swap3A_67 = arith.constant 0 : index
      %swap3A_68 = arith.constant 0 : index
      %swap3A_69 = vector.load %arg8[%swap3A_67, %swap3A_68] : memref<1x128xf32, #tpu.memory_space<vmem>>, vector<1x128xf32>
      tpu.vector_store %arg8[%swap3A_67, %swap3A_68], %broadcast_in_dim3A_66 {strides = array<i32>} : memref<1x128xf32, #tpu.memory_space<vmem>>, vector<1x128xf32>,
      %broadcast_in_dim3A_70 = arith.constant 0.000000e+00 : f32
      %broadcast_in_dim3A_71 = vector.broadcast %broadcast_in_dim3A_70 : f32 to vector<1x128xf32>
      %swap3A_72 = arith.constant 0 : index
      %swap3A_73 = arith.constant 0 : index
      %swap3A_74 = vector.load %arg9[%swap3A_72, %swap3A_73] : memref<1x128xf32, #tpu.memory_space<vmem>>, vector<1x128xf32>
      tpu.vector_store %arg9[%swap3A_72, %swap3A_73], %broadcast_in_dim3A_71 {strides = array<i32>} : memref<1x128xf32, #tpu.memory_space<vmem>>, vector<1x128xf32>,
    } else {
    }
    %get3A = arith.constant 0 : index
    %get3A_2 = arith.constant 0 : index
    %get3A_3 = vector.load %arg2[%get3A, %get3A_2] : memref<1000x1xf32, #tpu.memory_space<vmem>>, vector<1000x1xf32>
    %add3A = arith.constant 1.000000e+00 : f32
    %add3A_4 = vector.broadcast %add3A : f32 to vector<1000x1xf32>
    %add3A_5 = arith.addf %get3A_3, %add3A_4 : vector<1000x1xf32>
    %rsqrt3A = math.rsqrt %add3A_5 : vector<1000x1xf32>
    %get3A_6 = arith.constant 0 : index
    %get3A_7 = arith.constant 0 : index
    %get3A_8 = arith.constant 0 : index
    %get3A_9 = vector.load %arg1[%get3A_6, %get3A_7, %get3A_8] : memref<2x1000x64xf32, #tpu.memory_space<vmem>>, vector<2x1000x64xf32>
    %slice3A = vector.extract_strided_slice %get3A_9 {offsets = [0, 0, 0], sizes = [1, 1000, 64], strides = [1, 1, 1]} : vector<2x1000x64xf32> to vector<1x1000x64xf32>
    %squeeze3A = vector.shape_cast %slice3A : vector<1x1000x64xf32> to vector<1000x64xf32>
    %slice3A_10 = vector.extract_strided_slice %get3A_9 {offsets = [1, 0, 0], sizes = [1, 1000, 64], strides = [1, 1, 1]} : vector<2x1000x64xf32> to vector<1x1000x64xf32>
    %squeeze3A_11 = vector.shape_cast %slice3A_10 : vector<1x1000x64xf32> to vector<1000x64xf32>
    %add3A_12 = arith.addf %squeeze3A, %squeeze3A_11 : vector<1000x64xf32>
    %mul3A = vector.broadcast %rsqrt3A : vector<1000x1xf32> to vector<1000x64xf32>
    %mul3A_13 = arith.mulf %add3A_12, %mul3A : vector<1000x64xf32>
    %get3A_14 = arith.constant 0 : index
    %get3A_15 = arith.constant 0 : index
    %get3A_16 = vector.load %arg3[%get3A_14, %get3A_15] : memref<1x64xf32, #tpu.memory_space<vmem>>, vector<1x64xf32>
    %add3A_17 = vector.broadcast %get3A_16 : vector<1x64xf32> to vector<1000x64xf32>
    %add3A_18 = arith.addf %mul3A_13, %add3A_17 : vector<1000x64xf32>
    %max3A = arith.constant 0.000000e+00 : f32
    %max3A_19 = vector.broadcast %max3A : f32 to vector<1000x64xf32>
    %max3A_20 = arith.maximumf %add3A_18, %max3A_19 : vector<1000x64xf32>
    %get3A_21 = arith.constant 0 : index
    %get3A_22 = arith.constant 0 : index
    %get3A_23 = vector.load %arg4[%get3A_21, %get3A_22] : memref<1x64xf32, #tpu.memory_space<vmem>>, vector<1x64xf32>
    %mul3A_24 = vector.broadcast %get3A_23 : vector<1x64xf32> to vector<1000x64xf32>
    %mul3A_25 = arith.mulf %max3A_20, %mul3A_24 : vector<1000x64xf32>
    %reduce_sum3A = arith.constant dense<0.000000e+00> : vector<1000xf32>
    %reduce_sum3A_26 = vector.multi_reduction <add>, %mul3A_25, %reduce_sum3A [1] : vector<1000x64xf32> to vector<1000xf32>
    %broadcast_in_dim3A = vector.shape_cast %reduce_sum3A_26 : vector<1000xf32> to vector<1000x1xf32>
    %get3A_27 = arith.constant 0 : index
    %get3A_28 = arith.constant 0 : index
    %get3A_29 = vector.load %arg5[%get3A_27, %get3A_28] : memref<1x1xf32, #tpu.memory_space<vmem>>, vector<1x1xf32>
    %add3A_30 = vector.broadcast %get3A_29 : vector<1x1xf32> to vector<1000x1xf32>
    %add3A_31 = arith.addf %broadcast_in_dim3A, %add3A_30 : vector<1000x1xf32>
    %iota3A = tpu.iota {dimensions = array<i32: 1>} : vector<1000x128xi32>
    %get3A_32 = arith.constant 0 : index
    %get3A_33 = arith.constant 0 : index
    %get3A_34 = vector.load %arg6[%get3A_32, %get3A_33] : memref<1000x1xi32, #tpu.memory_space<vmem>>, vector<1000x1xi32>
    %eq3A_35 = vector.broadcast %get3A_34 : vector<1000x1xi32> to vector<1000x128xi32>
    %eq3A_36 = arith.cmpi eq, %eq3A_35, %iota3A : vector<1000x128xi32>
    %convert_element_type3A_37 = arith.extui %eq3A_36 : vector<1000x128xi1> to vector<1000x128xi32>
    %convert_element_type3A_38 = arith.sitofp %convert_element_type3A_37 : vector<1000x128xi32> to vector<1000x128xf32>
    %get3A_39 = arith.constant 0 : index
    %get3A_40 = arith.constant 0 : index
    %get3A_41 = vector.load %arg8[%get3A_39, %get3A_40] : memref<1x128xf32, #tpu.memory_space<vmem>>, vector<1x128xf32>
    %mul3A_42 = vector.broadcast %add3A_31 : vector<1000x1xf32> to vector<1000x128xf32>
    %mul3A_43 = arith.mulf %convert_element_type3A_38, %mul3A_42 : vector<1000x128xf32>
    %reduce_sum3A_44 = arith.constant dense<0.000000e+00> : vector<128xf32>
    %reduce_sum3A_45 = vector.multi_reduction <add>, %mul3A_43, %reduce_sum3A_44 [0] : vector<1000x128xf32> to vector<128xf32>
    %broadcast_in_dim3A_46 = vector.shape_cast %reduce_sum3A_45 : vector<128xf32> to vector<1x128xf32>
    %add3A_47 = arith.addf %get3A_41, %broadcast_in_dim3A_46 : vector<1x128xf32>
    %swap3A = arith.constant 0 : index
    %swap3A_48 = arith.constant 0 : index
    %swap3A_49 = vector.load %arg8[%swap3A, %swap3A_48] : memref<1x128xf32, #tpu.memory_space<vmem>>, vector<1x128xf32>
    tpu.vector_store %arg8[%swap3A, %swap3A_48], %add3A_47 {strides = array<i32>} : memref<1x128xf32, #tpu.memory_space<vmem>>, vector<1x128xf32>,
    %get3A_50 = arith.constant 0 : index
    %get3A_51 = arith.constant 0 : index
    %get3A_52 = vector.load %arg9[%get3A_50, %get3A_51] : memref<1x128xf32, #tpu.memory_space<vmem>>, vector<1x128xf32>
    %reduce_sum3A_53 = arith.constant dense<0.000000e+00> : vector<128xf32>
    %reduce_sum3A_54 = vector.multi_reduction <add>, %convert_element_type3A_38, %reduce_sum3A_53 [0] : vector<1000x128xf32> to vector<128xf32>
    %broadcast_in_dim3A_55 = vector.shape_cast %reduce_sum3A_54 : vector<128xf32> to vector<1x128xf32>
    %add3A_56 = arith.addf %get3A_52, %broadcast_in_dim3A_55 : vector<1x128xf32>
    %swap3A_57 = arith.constant 0 : index
    %swap3A_58 = arith.constant 0 : index
    %swap3A_59 = vector.load %arg9[%swap3A_57, %swap3A_58] : memref<1x128xf32, #tpu.memory_space<vmem>>, vector<1x128xf32>
    tpu.vector_store %arg9[%swap3A_57, %swap3A_58], %add3A_56 {strides = array<i32>} : memref<1x128xf32, #tpu.memory_space<vmem>>, vector<1x128xf32>,
    %eq3A_60 = arith.constant 9 : i32
    %eq3A_61 = arith.cmpi eq, %arg0, %eq3A_60 : i32
    %convert_element_type3A_62 = arith.extui %eq3A_61 : i1 to i32
    %cond3A_63 = arith.constant 0 : i32
    %cond3A_64 = arith.cmpi ne, %convert_element_type3A_62, %cond3A_63 : i32
    scf.if %cond3A_64 {
      %get3A_65 = arith.constant 0 : index
      %get3A_66 = arith.constant 0 : index
      %get3A_67 = vector.load %arg8[%get3A_65, %get3A_66] : memref<1x128xf32, #tpu.memory_space<vmem>>, vector<1x128xf32>
      %get3A_68 = arith.constant 0 : index
      %get3A_69 = arith.constant 0 : index
      %get3A_70 = vector.load %arg9[%get3A_68, %get3A_69] : memref<1x128xf32, #tpu.memory_space<vmem>>, vector<1x128xf32>
      %max3A_71 = arith.constant 1.000000e+00 : f32
      %max3A_72 = vector.broadcast %max3A_71 : f32 to vector<1x128xf32>
      %max3A_73 = arith.maximumf %get3A_70, %max3A_72 : vector<1x128xf32>
      %div3A = arith.divf %get3A_67, %max3A_73 : vector<1x128xf32>
      %swap3A_74 = arith.constant 0 : index
      %swap3A_75 = arith.constant 0 : index
      %swap3A_76 = vector.load %arg7[%swap3A_74, %swap3A_75] : memref<1x128xf32, #tpu.memory_space<vmem>>, vector<1x128xf32>
      tpu.vector_store %arg7[%swap3A_74, %swap3A_75], %div3A {strides = array<i32>} : memref<1x128xf32, #tpu.memory_space<vmem>>, vector<1x128xf32>,
    } else {
    }
    return
  }
  func.func @transform_0(%arg0: i32) -> (i32, i32, i32) {
    %c0_i32 = arith.constant 0 : i32
    %c0_i32_0 = arith.constant 0 : i32
    %c0_i32_1 = arith.constant 0 : i32
    return %c0_i32, %arg0, %c0_i32_0 : i32, i32, i32
  }
  func.func @transform_1(%arg0: i32) -> (i32, i32) {
    %c0_i32 = arith.constant 0 : i32
    %c0_i32_0 = arith.constant 0 : i32
    return %arg0, %c0_i32 : i32, i32
  }
  func.func @transform_2(%arg0: i32) -> (i32, i32) {
    %c0_i32 = arith.constant 0 : i32
    %c0_i32_0 = arith.constant 0 : i32
    %c0_i32_1 = arith.constant 0 : i32
    return %c0_i32, %c0_i32_0 : i32, i32
  }
  func.func @transform_3(%arg0: i32) -> (i32, i32) {
    %c0_i32 = arith.constant 0 : i32
    %c0_i32_0 = arith.constant 0 : i32
    %c0_i32_1 = arith.constant 0 : i32
    return %c0_i32, %c0_i32_0 : i32, i32
  }
  func.func @transform_4(%arg0: i32) -> (i32, i32) {
    %c0_i32 = arith.constant 0 : i32
    %c0_i32_0 = arith.constant 0 : i32
    %c0_i32_1 = arith.constant 0 : i32
    return %c0_i32, %c0_i32_0 : i32, i32
  }
  func.func @transform_5(%arg0: i32) -> (i32, i32) {
    %c0_i32 = arith.constant 0 : i32
    %c0_i32_0 = arith.constant 0 : i32
    return %arg0, %c0_i32 : i32, i32
  }
  func.func @transform_6(%arg0: i32) -> (i32, i32) {
    %c0_i32 = arith.constant 0 : i32
    %c0_i32_0 = arith.constant 0 : i32
    %c0_i32_1 = arith.constant 0 : i32
    return %c0_i32, %c0_i32_0 : i32, i32
  }
}

</mosaic_0001>

<sc_bundles>
// kernel: kernel.12.cloned.1.call-start
scs
__scs_entry_jumppad:
0x0: {  	(pc) =	sbr.rel $0x88, $3  }
0x1: {  	(tag) =	ssettag $0x0;
	lr =	simm.s32 $0x1  }
0x2: {  	[smem:$0x3F98] =	sst lr;
	_ =	strace $0xD0000000  }
0x3: {  	_ = 	snop  }
0x4: {  	_ = 	snop  }
0x5: {  	_ = 	snop  }
0x6: {  	_ = 	snop  }
0x7: {  	_ = 	snop  }
__scs_overlays_trampoline_lowered:
0x8: {  	[smem:$0x3FA7] =	sst s0  }
0x9: {  	[smem:$0x3FA8] =	sst s1  }
0xa: {  	[smem:$0x3FA9] =	sst s2  }
0xb: {  	[smem:$0x3FAA] =	sst s3  }
0xc: {  	[smem:$0x3FAB] =	sst s4  }
0xd: {  	[smem:$0x3FAC] =	sst s5  }
0xe: {  	[smem:$0x3FAD] =	sst s6  }
0xf: {  	[smem:$0x3FAE] =	sst s7  }
0x10: {  	[smem:$0x3FAF] =	sst s8  }
0x11: {  	[smem:$0x3FB0] =	sst s9;
	s0 =	simm.s32 @!p0 $0x0  }
0x12: {  	s1 =	sld [smem:$0x3F96];
	s0 =	simm.s32 @p0 $0x1  }
0x13: {  	[smem:$0x3FB1] =	sst s0;
	s0 =	simm.s32 @!p1 $0x0  }
0x14: {  	s2 =	sld [smem:$0x3F95];
	s0 =	simm.s32 @p1 $0x1  }
0x15: {  	[smem:$0x3FB2] =	sst s0;
	s0 =	simm.s32 @!p2 $0x0  }
0x16: {  	s3 =	sld [smem:$0x3FDB];
	s0 =	simm.s32 @p2 $0x1  }
0x17: {  	s4 =	simm.s32 $0x1BF5;
	[smem:$0x3FB4] =	sst s0  }
0x18: {  	s0 =	sld [smem:$0x3F97];
	_ =	swait.ge [sflag:s4], $0x0  }
0x19: {  	s7 =	sld [smem:$0x3F98]  }
0x1a: {  	s8 =	sadd.s32 $0xFFFFE003, lr  }
0x1b: {  	s9 =	sadd.s32 $0xFFFFFEF7, lr;
	s5 =	simm.s32 $0xFFFFFFFF;
	p2 =	slt.u32 s8, $0xFFFFF086  }
0x1c: {  	p1 =	slt.u32 s9, $0xF7A;
	s5 =	simm.s32 @!p2 $0x0  }
0x1d: {  	s5 =	simm.s32 @p1 $0x1;
	p0 =	seq.s32 s7, s2  }
0x1e: {  	s7 =	smul.u32 @!p0 $0xF7A, s2;
	p2 =	seq.s32 @!p0 s5, $0x0  }
0x1f: {  	s9 =	smul.u32 $0xF7A, s1;
	s8 =	simm.s32 @!p0 $0x1BF5;
	p2 =	por !p2, p0  }
0x20: {  	[sflag:s8] =	ssyncset.s32 @!p0 $0xFFFFF086;
	s6 =	sadd.s32 @!p0 s3, s7;
	s7 =	simm.s32 @!p0 $0x108  }
0x21: {  	s3 =	sadd.s32 s3, s9;
	s6 =	sadd.s32 @!p0 $0x88, s6;
	s7 =	simm.s32 @p2 $0x1082  }
0x22: {  	[simem:s7], [sflag:s8] =	dma.local @!p0 [hbm:s6], $0xF7A  }
0x23: {  	s9 =	sor.u32 $0xD0000000, s2;
	s6 =	simm.s32 $0x108;
	_ =	swait.ge @!p0 [sflag:s8], $0x0  }
0x24: {  	s3 =	sadd.s32 $0x88, s3;
	s6 =	simm.s32 @!p1 $0x1082;
	[sflag:s4] =	ssyncset.s32 $0xFFFFF086  }
0x25: {  	[simem:s6], [sflag:s4] =	dma.local [hbm:s3], $0xF7A  }
0x26: {  	[smem:$0x3F98] =	sst s1;
	(tag) =	ssettag s2;
	_ =	strace s9  }
0x27: {  	s1 =	sld [smem:$0x3FA8]  }
0x28: {  	s2 =	sld [smem:$0x3FA9]  }
0x29: {  	s4 =	sld [smem:$0x3FAB]  }
0x2a: {  	p0 =	seq.s32 s5, $0x0;
	s5 =	sld [smem:$0x3FAC]  }
0x2b: {  	s6 =	sld [smem:$0x3FAD]  }
0x2c: {  	s7 =	sld [smem:$0x3FAE]  }
0x2d: {  	s3 =	simm.s32 $0x108;
	s8 =	sld [smem:$0x3FAF]  }
0x2e: {  	s3 =	simm.s32 @!p0 $0x1082;
	s9 =	sld [smem:$0x3FB0]  }
0x2f: {  	lr =	sadd.s32 s0, s3;
	s0 =	sld [smem:$0x3FA7]  }
0x30: {  	s3 =	sld [smem:$0x3FAA]  }
0x31: {  	[smem:$0x3FB3] =	sst s10  }
0x32: {  	s10 =	sld [smem:$0x3FB1];
	_ =	sdelay $0x3  }
0x33: {  	p0 =	seq.s32 s10, $0x1;
	s10 =	sld [smem:$0x3FB3];
	_ =	sdelay $0x3  }
0x34: {  	[smem:$0x3FB3] =	sst s10  }
0x35: {  	s10 =	sld [smem:$0x3FB2];
	_ =	sdelay $0x3  }
0x36: {  	p1 =	seq.s32 s10, $0x1;
	s10 =	sld [smem:$0x3FB3];
	_ =	sdelay $0x3  }
0x37: {  	[smem:$0x3FB3] =	sst s10  }
0x38: {  	s10 =	sld [smem:$0x3FB4]  }
0x39: {  	_ = 	snop;
	(pc) =	sbr.ind lr, $3  }
0x3a: {  	_ = 	snop  }
0x3b: {  	_ = 	snop  }
0x3c: {  	p2 =	seq.s32 s10, $0x1;
	s10 =	sld [smem:$0x3FB3]  }
0x3d: {  	_ =	shalt  }
0x3e: {  	_ =	shalt  }
0x3f: {  	_ =	shalt  }
0x40: {  	_ =	shalt  }
0x41: {  	_ =	shalt  }
0x42: {  	_ =	shalt  }
0x43: {  	_ =	shalt  }
0x44: {  	_ =	shalt  }
0x45: {  	_ =	shalt  }
0x46: {  	_ =	shalt  }
0x47: {  	_ =	shalt  }
0x48: {  	_ =	shalt  }
0x49: {  	_ =	shalt  }
0x4a: {  	_ =	shalt  }
0x4b: {  	_ =	shalt  }
0x4c: {  	_ =	shalt  }
0x4d: {  	_ =	shalt  }
0x4e: {  	_ =	shalt  }
0x4f: {  	_ =	shalt  }
0x50: {  	_ =	shalt  }
0x51: {  	_ =	shalt  }
0x52: {  	_ =	shalt  }
0x53: {  	_ =	shalt  }
0x54: {  	_ =	shalt  }
0x55: {  	_ =	shalt  }
0x56: {  	_ =	shalt  }
0x57: {  	_ =	shalt  }
0x58: {  	_ =	shalt  }
0x59: {  	_ =	shalt  }
0x5a: {  	_ =	shalt  }
0x5b: {  	_ =	shalt  }
0x5c: {  	_ =	shalt  }
0x5d: {  	_ =	shalt  }
0x5e: {  	_ =	shalt  }
0x5f: {  	_ =	shalt  }
0x60: {  	_ =	shalt  }
0x61: {  	_ =	shalt  }
0x62: {  	_ =	shalt  }
0x63: {  	_ =	shalt  }
0x64: {  	_ =	shalt  }
0x65: {  	_ =	shalt  }
0x66: {  	_ =	shalt  }
0x67: {  	_ =	shalt  }
0x68: {  	_ =	shalt  }
0x69: {  	_ =	shalt  }
0x6a: {  	_ =	shalt  }
0x6b: {  	_ =	shalt  }
0x6c: {  	_ =	shalt  }
0x6d: {  	_ =	shalt  }
0x6e: {  	_ =	shalt  }
0x6f: {  	_ =	shalt  }
0x70: {  	_ =	shalt  }
0x71: {  	_ =	shalt  }
0x72: {  	_ =	shalt  }
0x73: {  	_ =	shalt  }
0x74: {  	_ =	shalt  }
0x75: {  	_ =	shalt  }
0x76: {  	_ =	shalt  }
0x77: {  	_ =	shalt  }
0x78: {  	_ =	shalt  }
0x79: {  	_ =	shalt  }
0x7a: {  	_ =	shalt  }
0x7b: {  	_ =	shalt  }
0x7c: {  	_ =	shalt  }
0x7d: {  	_ =	shalt  }
0x7e: {  	_ =	shalt  }
0x7f: {  	_ =	shalt  }
0x80: {  	_ =	shalt  }
0x81: {  	_ =	shalt  }
0x82: {  	_ =	shalt  }
0x83: {  	_ =	shalt  }
0x84: {  	_ =	shalt  }
0x85: {  	_ =	shalt  }
0x86: {  	_ =	shalt  }
0x87: {  	_ =	shalt  }
.Lfunc_end0:
.L_simem_size_0:
called_computation.1_lowered:
.L_overlay_start_0:
0x88: {  	s2 =	sld [smem:$0x3FD9]  }
0x89: {  	s3 =	sld [smem:$0x3FFE];
	_ =	sdelay $0x1  }
0x8a: {  	s1 =	srdreg.scid  }
0x8b: {  	s0 =	sand.u32 $0x1, s1  }
0x8c: {  	s16 =	sshll.u32 s0, $0xA;
	s2 =	sadd.s32 s3, s2  }
0x8d: {  	s2 =	sadd.s32 s2, s16  }
0x8e: {  	[smem:$0x3FBF] =	sst s2  }
0x8f: {  	_ = 	snop  }
0x90: {  	(tm) =	ssettm $0x1  }
0x91: {  	s17 =	sld [smem:$0x3FFB];
	_ =	sdelay $0x3  }
0x92: {  	_ =	strace s17  }
0x93: {  	s2 =	sld [smem:$0x3FFC];
	_ =	sdelay $0x3  }
0x94: {  	_ =	strace s2  }
0x95: {  	s2 =	sld [smem:$0x3FFD];
	_ =	sdelay $0x3  }
0x96: {  	_ =	strace s2  }
0x97: {  	_ =	strace $0x8FFFFFFF  }
0x98: {  	s18 =	sld [smem:$0x3FDB];
	_ =	sdelay $0x1  }
0x99: {  	s19 =	simm.s32 $_scs_section_size  }
0x9a: {  	s4 =	simm.s32 $_size__tile_overlayer_lowered;
	s5 =	simm.s32 $_tile_overlayer_lowered  }
0x9b: {  	s22 =	simm.s32 $0x1BFF;
	s21 =	sshll.u32 s5, $0x1;
	s2 =	sadd.s32 s19, s18  }
0x9c: {  	s6 =	simm.s32 $0x0;
	s20 =	sshll.u32 s4, $0x1;
	s4 =	sadd.s32 s21, s2  }
0x9d: {  	[timem:s6], [sflag:s22] =	dma.local [hbm:s4], s20  }
0x9e: {  	_ =	swait.ge [sflag:s22], s20  }
0x9f: {  	s3 =	ssub.s32 $0x0, s20;
	[sflag:s22] =	ssyncset.done $0x0  }
0xa0: {  	[sflag:s22] =	ssyncadd.s32 s3;
	_ =	sdelay $0x1  }
0xa1: {  	s23 =	simm.s32 $0x1B8B  }
0xa2: {  	_ =	swait.ge [sflag:s23], $0x1  }
0xa3: {  	[sflag:s23] =	ssyncset.done $0x0  }
0xa4: {  	s25 =	simm.s32 $0x1B8E;
	s24 =	sld [smem:$0x3FFE];
	[sflag:s23] =	ssyncadd.s32 $0xFFFFFFFF  }
0xa5: {  	s26 =	simm.s32 $execute0_lowered;
	[smem:$0x3FD2] =	sst s25  }
0xa6: {  	s4 =	sshll.u32 s26, $0x1;
	_ =	strace $0x80000049;
	[dreg:$0x1] =	wrdreg $0xFFFFFFFF  }
0xa7: {  	s28 =	simm.s32 $_size_execute0_lowered;
	s2 =	sadd.s32 s2, s4;
	[dreg:$0x0] =	wrdreg $0x0  }
0xa8: {  	s4 =	sshll.u32 s28, $0x1;
	[dreg:$0x2] =	wrdreg s2  }
0xa9: {  	[dreg:$0x3] =	wrdreg s4  }
0xaa: {  	[dreg:$0x4] =	wrdreg $0xC0  }
0xab: {  	_ =	task [dreg:s6], $0x5FFFF  }
0xac: {  	[dreg:$0x1] =	wrdreg $0xFFFFFFFF  }
0xad: {  	[dreg:$0x0] =	wrdreg $0x60  }
0xae: {  	[dreg:$0x2] =	wrdreg s24  }
0xaf: {  	[dreg:$0x3] =	wrdreg $0xD0000  }
0xb0: {  	[dreg:$0x4] =	wrdreg $0x9  }
0xb1: {  	_ =	task.clear_ibuf [dreg:s6], $0x5FFFF;
	_ =	strace $0x90000049  }
0xb2: {  	s29 =	simm.s32 $0x9;
	_ =	strace $0x8000004B  }
0xb3: {  	_ =	swait.ge [sflag:s29], $0x1  }
0xb4: {  	[sflag:s29] =	ssyncadd.s32 $0xFFFFFFFF  }
0xb5: {  	_ =	strace $0x9000004B  }
0xb6: {  	_ =	sfence  }
0xb7: {  	s30 =	sld [smem:$0x0];
	_ =	sdelay $0x2  }
0xb8: {  	s31 =	sshll.u32 s1, $0xD;
	s1 =	sshrl.u32 s1, $0x2  }
0xb9: {  	s3 =	sand.u32 $0x4000, s31;
	s1 =	sadd.s32 s1, s30  }
0xba: {  	s0 =	sor.u32 s3, s0;
	s1 =	sshll.u32 s1, $0x11  }
0xbb: {  	s0 =	sor.u32 s1, s0  }
0xbc: {  	s0 =	sadd.s32 $0x8F2B, s0  }
0xbd: {  	[sflag:s0] =	ssyncadd.remote.s32 $0x1  }
0xbe: {  	_ =	sfence.sel $0xFFFF  }
0xbf: {  	[dreg:$0x0] =	wrdreg $0xFFFFFFFF;
	(pc) =	sbr.abs _section_cstart, $3  }
0xc0: {  	[dreg:$0x1] =	wrdreg $0xFFFFFFFF  }
0xc1: {  	_ =	task.clear_ibuf [dreg:s6], $0x2FFFF;
	_ =	strace $0x9FFFFFFF  }
0xc2: {  	(tm) =	ssettm $0x7FFFFFFF  }
0xc3: {  	_ =	shalt  }
tec
execute0_lowered:
.L_overlay_start_1:
0x0: {  	(tag) =	ssettag $0x1  }
0x1: {  	s0 =	srdreg.scid  }
0x2: {  	s13 =	stileid.u32;
	s5 =	rddreg [dreg:$0x0]  }
0x3: {  	s2 =	rddreg [dreg:$0x1];
	s3 =	simm.s32 $0x0;
	s15 =	simm.s32 $0x9  }
0x4: {  	s16 =	simm.s32 $0x2800;
	s17 =	simm.s32 $0x80;
	s18 =	simm.s32 $0x5000  }
0x5: {  	s19 =	simm.s32 $0x7000;
	s21 =	simm.s32 $0x9000;
	s29 =	simm.s32 $0x5  }
0x6: {  	s30 =	simm.s32 $0x3;
	s31 =	simm.s32 $0x6;
	s10 =	smul.u32 $0x9E00, s13  }
0x7: {  	s20 =	simm.s32 $0x8;
	s0 =	sand.u32 $0x1, s0;
	s8 =	smul.u32 $0x278, s13  }
0x8: {  	[smem:$0x7FF] =	sst s3;
	s4 =	sadd.s32 $0x16200, s5;
	s9 =	smul.u32 $0x27800, s13  }
0x9: {  	s7 =	sadd.s32 $0x29C00, s5;
	s1 =	sshll.u32 s0, $0x4;
	s6 =	smul.u32 $0x9E000, s0  }
0xa: {  	_ =	strace $0x8000004A;
	[dreg:$0x3] =	wrdreg s7;
	s22 =	ssub.s32 $0x2, s0  }
0xb: {  	p0 =	seq.s32 s0, $0x1;
	s1 =	sor.u32 s13, s1;
	s23 =	sshrl.u32 s22, $0x1  }
0xc: {  	s24 =	smin.u32 s8, $0x2498;
	s26 =	sshrl.u32 s9, $0x2;
	s28 =	sadd.s32 s10, s2  }
0xd: {  	s1 =	smul.u32 $0x2800, s1;
	s6 =	sadd.s32 s10, s6;
	s11 =	ssub.s32 s22, s23  }
0xe: {  	s25 =	sshll.u32 s24, $0x6;
	s0 =	sshll.u32 s24, $0x3;
	s23 =	simm.s32 $0xB000  }
0xf: {  	s24 =	simm.s32 $0x1;
	s22 =	simm.s32 $0x0;
	s6 =	sshrl.u32 s6, $0x3  }
0x10: {  	s14 =	sadd.s32 s25, s2;
	s0 =	sadd.s32 s4, s0;
	s10 =	smax.u32 s11, $0x1  }
0x11: {  	s25 =	sshrl.u32 s28, $0x3;
	s1 =	sshrl.u32 s1, $0x3;
	[dreg:$0x4] =	wrdreg s0  }
0x12: {  	s0 =	sadd.s32 s26, s2;
	s14 =	sshrl.u32 @!p0 s14, $0x3;
	s26 =	simm.s32 $0x2  }
0x13: {  	s1 =	sadd.s32 s1, s5;
	s5 =	sadd.s32 s6, s5;
	s12 =	sshrl.u32 @p0 s0, $0x3  }
0x14: {  	s0 =	sshll.u32 @!p0 s13, $0x6;
	s7 =	sadd.s32 $0x2200, s1;
	s8 =	sadd.s32 $0xC200, s1  }
0x15: {  	s9 =	sadd.s32 $0x2B000, s5;
	s5 =	sshll.u32 @p0 s13, $0x6;
	s13 =	sor.u32 @!p0 $0x1C09, s0  }
0x16: {  	s1 =	simm.s32 $0x4;
	s0 =	simm.s32 $0x7;
	s11 =	sor.u32 @p0 $0x1C09, s5  }
.LBB2_1:
0x17: {  	s5 =	rddreg [dreg:$0x3]  }
0x18: {  	[spmem:s12], [sflag:s11] =	dma.local @p0 [hbm:s5], $0x13C0  }
0x19: {  	s5 =	rddreg [dreg:$0x4]  }
0x1a: {  	[spmem:s14], [sflag:s13] =	dma.local @!p0 [hbm:s5], $0x13C0  }
0x1b: {  	_ =	swait.ge [sflag:s15], $0x13C0  }
0x1c: {  	[sflag:s15] =	ssyncset.done $0x0  }
0x1d: {  	[sflag:s15] =	ssyncadd.s32 $0xFFFFEC40  }
0x1e: {  	[tilespmem:s3], [sflag:$0x9] =	stream.linear.gather [hbm4b:s7+s3], $0x2800, $0x38;
	[tilespmem:$0x16E00] =	vst v63  }
0x1f: {  	_ =	swait.ge [sflag:s15], $0x2800  }
0x20: {  	[sflag:s15] =	ssyncset.done $0x0  }
0x21: {  	[sflag:s15] =	ssyncadd.s32 $0xFFFFD800  }
0x22: {  	[tilespmem:s16], [sflag:$0x9] =	stream.linear.gather [hbm4b:s8+s3], $0x2800, $0x38;
	[tilespmem:$0x16E00] =	vst v63  }
0x23: {  	_ =	swait.ge [sflag:s15], $0x2800  }
0x24: {  	[sflag:s15] =	ssyncset.done $0x0  }
0x25: {  	[sflag:s15] =	ssyncadd.s32 $0xFFFFD800  }
0x26: {  	[bflag:$0x0] =	sbarrier.arrive $0xFFFF  }
0x27: {  	[tilespmem:s18], [sflag:$0x1] =	stream.indirect.gather [hbm4b:s4+s17], $0x40, s3, s17, $0xb8;
	[tilespmem:$0x16E00] =	vst v63  }
0x28: {  	_ = 	snop  }
0x29: {  	[tilespmem:s19], [sflag:$0x2] =	stream.indirect.gather [hbm4b:s4+s17], $0x40, s17, s17, $0xb8;
	[tilespmem:$0x16E00] =	vst v63  }
0x2a: {  	s6 =	simm.s32 $0x100  }
0x2b: {  	[tilespmem:s21], [sflag:$0x3] =	stream.indirect.gather [hbm4b:s4+s17], $0x40, s6, s17, $0xb8;
	[tilespmem:$0x16E00] =	vst v63  }
0x2c: {  	s6 =	simm.s32 $0x180  }
0x2d: {  	[tilespmem:s23], [sflag:$0x4] =	stream.indirect.gather [hbm4b:s4+s17], $0x40, s6, s17, $0xb8;
	[tilespmem:$0x16E00] =	vst v63  }
0x2e: {  	_ =	swait.ge [sflag:s24], $0x2000  }
0x2f: {  	[sflag:s24] =	ssyncset.done $0x0  }
0x30: {  	[sflag:s24] =	ssyncadd.s32 $0xFFFFE000  }
0x31: {  	[spmem:s2] =	stream.indirect.scatter.add.f32 [tilespmem:s18], [sflag:$0x5], $0x40, s16, s17, $0xb8;
	[tilespmem:$0x16E00] =	vst v63  }
0x32: {  	_ =	swait.ge [sflag:s26], $0x2000  }
0x33: {  	[sflag:s26] =	ssyncset.done $0x0  }
0x34: {  	s6 =	simm.s32 $0x2880;
	[sflag:s26] =	ssyncadd.s32 $0xFFFFE000  }
0x35: {  	[spmem:s2] =	stream.indirect.scatter.add.f32 [tilespmem:s19], [sflag:$0x6], $0x40, s6, s17, $0xb8;
	[tilespmem:$0x16E00] =	vst v63  }
0x36: {  	_ =	swait.ge [sflag:s29], $0x2000  }
0x37: {  	[sflag:s29] =	ssyncset.done $0x0  }
0x38: {  	s6 =	simm.s32 $0x200;
	[sflag:s29] =	ssyncadd.s32 $0xFFFFE000  }
0x39: {  	[tilespmem:s18], [sflag:$0x1] =	stream.indirect.gather [hbm4b:s4+s17], $0x40, s6, s17, $0xb8;
	[tilespmem:$0x16E00] =	vst v63  }
0x3a: {  	_ =	swait.ge [sflag:s30], $0x2000  }
0x3b: {  	[sflag:s30] =	ssyncset.done $0x0  }
0x3c: {  	s6 =	simm.s32 $0x2900;
	[sflag:s30] =	ssyncadd.s32 $0xFFFFE000  }
0x3d: {  	[spmem:s2] =	stream.indirect.scatter.add.f32 [tilespmem:s21], [sflag:$0x7], $0x40, s6, s17, $0xb8;
	[tilespmem:$0x16E00] =	vst v63  }
0x3e: {  	_ =	swait.ge [sflag:s31], $0x2000  }
0x3f: {  	[sflag:s31] =	ssyncset.done $0x0  }
0x40: {  	s6 =	simm.s32 $0x280;
	[sflag:s31] =	ssyncadd.s32 $0xFFFFE000  }
0x41: {  	[tilespmem:s19], [sflag:$0x2] =	stream.indirect.gather [hbm4b:s4+s17], $0x40, s6, s17, $0xb8;
	[tilespmem:$0x16E00] =	vst v63  }
0x42: {  	_ =	swait.ge [sflag:s1], $0x2000  }
0x43: {  	[sflag:s1] =	ssyncset.done $0x0  }
0x44: {  	s6 =	simm.s32 $0x2980;
	[sflag:s1] =	ssyncadd.s32 $0xFFFFE000  }
0x45: {  	[spmem:s2] =	stream.indirect.scatter.add.f32 [tilespmem:s23], [sflag:$0x8], $0x40, s6, s17, $0xb8;
	[tilespmem:$0x16E00] =	vst v63  }
0x46: {  	_ =	swait.ge [sflag:s0], $0x2000  }
0x47: {  	[sflag:s0] =	ssyncset.done $0x0  }
0x48: {  	s6 =	simm.s32 $0x300;
	[sflag:s0] =	ssyncadd.s32 $0xFFFFE000  }
0x49: {  	[tilespmem:s21], [sflag:$0x3] =	stream.indirect.gather [hbm4b:s4+s17], $0x40, s6, s17, $0xb8;
	[tilespmem:$0x16E00] =	vst v63  }
0x4a: {  	_ =	swait.ge [sflag:s24], $0x2000  }
0x4b: {  	[sflag:s24] =	ssyncset.done $0x0  }
0x4c: {  	s6 =	simm.s32 $0x2A00;
	[sflag:s24] =	ssyncadd.s32 $0xFFFFE000  }
0x4d: {  	[spmem:s2] =	stream.indirect.scatter.add.f32 [tilespmem:s18], [sflag:$0x5], $0x40, s6, s17, $0xb8;
	[tilespmem:$0x16E00] =	vst v63  }
0x4e: {  	_ =	swait.ge [sflag:s20], $0x2000  }
0x4f: {  	[sflag:s20] =	ssyncset.done $0x0  }
0x50: {  	s6 =	simm.s32 $0x380;
	[sflag:s20] =	ssyncadd.s32 $0xFFFFE000  }
0x51: {  	[tilespmem:s23], [sflag:$0x4] =	stream.indirect.gather [hbm4b:s4+s17], $0x40, s6, s17, $0xb8;
	[tilespmem:$0x16E00] =	vst v63  }
0x52: {  	_ =	swait.ge [sflag:s26], $0x2000  }
0x53: {  	[sflag:s26] =	ssyncset.done $0x0  }
0x54: {  	s28 =	simm.s32 $0x800;
	s5 =	simm.s32 $0x2A80;
	[sflag:s26] =	ssyncadd.s32 $0xFFFFE000  }
.LBB2_2:
0x55: {  	[spmem:s2] =	stream.indirect.scatter.add.f32 [tilespmem:s19], [sflag:$0x6], $0x40, s5, s17, $0xb8;
	[tilespmem:$0x16E00] =	vst v63  }
0x56: {  	s5 =	smov.u32 s28  }
0x57: {  	p1 =	sne.s32 s28, $0x9000;
	s28 =	sadd.s32 $0x800, s28;
	_ =	swait.ge [sflag:s29], $0x2000  }
0x58: {  	s5 =	sshra.s32 s5, $0x2;
	[sflag:s29] =	ssyncset.done $0x0  }
0x59: {  	s6 =	sadd.s32 $0x200, s5;
	[sflag:s29] =	ssyncadd.s32 $0xFFFFE000  }
0x5a: {  	[tilespmem:s18], [sflag:$0x1] =	stream.indirect.gather [hbm4b:s4+s17], $0x40, s6, s17, $0xb8;
	[tilespmem:$0x16E00] =	vst v63  }
0x5b: {  	_ =	swait.ge [sflag:s30], $0x2000  }
0x5c: {  	[sflag:s30] =	ssyncset.done $0x0  }
0x5d: {  	s6 =	sadd.s32 $0x2900, s5;
	[sflag:s30] =	ssyncadd.s32 $0xFFFFE000  }
0x5e: {  	[spmem:s2] =	stream.indirect.scatter.add.f32 [tilespmem:s21], [sflag:$0x7], $0x40, s6, s17, $0xb8;
	[tilespmem:$0x16E00] =	vst v63  }
0x5f: {  	_ =	swait.ge [sflag:s31], $0x2000  }
0x60: {  	[sflag:s31] =	ssyncset.done $0x0  }
0x61: {  	s6 =	sadd.s32 $0x280, s5;
	[sflag:s31] =	ssyncadd.s32 $0xFFFFE000  }
0x62: {  	[tilespmem:s19], [sflag:$0x2] =	stream.indirect.gather [hbm4b:s4+s17], $0x40, s6, s17, $0xb8;
	[tilespmem:$0x16E00] =	vst v63  }
0x63: {  	_ =	swait.ge [sflag:s1], $0x2000  }
0x64: {  	[sflag:s1] =	ssyncset.done $0x0  }
0x65: {  	s6 =	sadd.s32 $0x2980, s5;
	[sflag:s1] =	ssyncadd.s32 $0xFFFFE000  }
0x66: {  	[spmem:s2] =	stream.indirect.scatter.add.f32 [tilespmem:s23], [sflag:$0x8], $0x40, s6, s17, $0xb8;
	[tilespmem:$0x16E00] =	vst v63  }
0x67: {  	_ =	swait.ge [sflag:s0], $0x2000  }
0x68: {  	[sflag:s0] =	ssyncset.done $0x0  }
0x69: {  	s6 =	sadd.s32 $0x300, s5;
	[sflag:s0] =	ssyncadd.s32 $0xFFFFE000  }
0x6a: {  	[tilespmem:s21], [sflag:$0x3] =	stream.indirect.gather [hbm4b:s4+s17], $0x40, s6, s17, $0xb8;
	[tilespmem:$0x16E00] =	vst v63  }
0x6b: {  	_ =	swait.ge [sflag:s24], $0x2000  }
0x6c: {  	[sflag:s24] =	ssyncset.done $0x0  }
0x6d: {  	s6 =	sadd.s32 $0x2A00, s5;
	[sflag:s24] =	ssyncadd.s32 $0xFFFFE000  }
0x6e: {  	[spmem:s2] =	stream.indirect.scatter.add.f32 [tilespmem:s18], [sflag:$0x5], $0x40, s6, s17, $0xb8;
	[tilespmem:$0x16E00] =	vst v63  }
0x6f: {  	_ =	swait.ge [sflag:s20], $0x2000  }
0x70: {  	[sflag:s20] =	ssyncset.done $0x0  }
.Ltmp0:
0x71: {  	s6 =	sadd.s32 $0x380, s5;
	[sflag:s20] =	ssyncadd.s32 $0xFFFFE000;
	(pc) =	sbr.rel @p1 .LBB2_2-.Ltmp0, $4  }
0x72: {  	[tilespmem:s23], [sflag:$0x4] =	stream.indirect.gather [hbm4b:s4+s17], $0x40, s6, s17, $0xb8;
	[tilespmem:$0x16E00] =	vst v63  }
0x73: {  	_ =	swait.ge [sflag:s26], $0x2000  }
0x74: {  	[sflag:s26] =	ssyncset.done $0x0  }
0x75: {  	s5 =	sadd.s32 $0x2A80, s5;
	[sflag:s26] =	ssyncadd.s32 $0xFFFFE000  }
0x76: {  	[spmem:s2] =	stream.indirect.scatter.add.f32 [tilespmem:s19], [sflag:$0x6], $0x40, s5, s17, $0xb8;
	[tilespmem:$0x16E00] =	vst v63  }
0x77: {  	_ =	swait.ge [sflag:s30], $0x2000  }
0x78: {  	[sflag:s30] =	ssyncset.done $0x0  }
0x79: {  	s28 =	simm.s32 $0x4F00;
	[sflag:s30] =	ssyncadd.s32 $0xFFFFE000  }
0x7a: {  	[spmem:s2] =	stream.indirect.scatter.add.f32 [tilespmem:s21], [sflag:$0x7], $0x40, s28, s17, $0xb8;
	[tilespmem:$0x16E00] =	vst v63  }
0x7b: {  	_ =	swait.ge [sflag:s1], $0x2000  }
0x7c: {  	[sflag:s1] =	ssyncset.done $0x0  }
0x7d: {  	s6 =	simm.s32 $0x4F80;
	[sflag:s1] =	ssyncadd.s32 $0xFFFFE000  }
0x7e: {  	[spmem:s2] =	stream.indirect.scatter.add.f32 [tilespmem:s23], [sflag:$0x8], $0x40, s6, s17, $0xb8;
	[tilespmem:$0x16E00] =	vst v63  }
0x7f: {  	_ =	swait.ge [sflag:s29], $0x2000  }
0x80: {  	[sflag:s29] =	ssyncset.done $0x0  }
0x81: {  	[sflag:s29] =	ssyncadd.s32 $0xFFFFE000  }
0x82: {  	_ =	swait.ge [sflag:s31], $0x2000  }
0x83: {  	[sflag:s31] =	ssyncset.done $0x0  }
0x84: {  	[sflag:s31] =	ssyncadd.s32 $0xFFFFE000  }
0x85: {  	_ =	swait.ge [sflag:s0], $0x2000  }
0x86: {  	[sflag:s0] =	ssyncset.done $0x0  }
0x87: {  	[sflag:s0] =	ssyncadd.s32 $0xFFFFE000  }
0x88: {  	_ =	swait.ge [sflag:s20], $0x2000  }
0x89: {  	s22 =	sadd.s32 $0x1, s22;
	s28 =	stileid.u32;
	[sflag:s20] =	ssyncset.done $0x0  }
0x8a: {  	p1 =	sne.s32 s22, s10;
	s5 =	sshll.u32 s28, $0x6;
	[sflag:s20] =	ssyncadd.s32 $0xFFFFE000  }
.Ltmp1:
0x8b: {  	s5 =	sor.u32 $0x1C09, s5;
	[bflag:$0x0] =	sbarrier.arrive $0xFFFF;
	(pc) =	sbr.rel @p1 .LBB2_1-.Ltmp1, $4  }
0x8c: {  	[hbm:s9], [sflag:s5] =	dma.local [spmem:s25], $0x13C0  }
0x8d: {  	_ =	swait.ge [sflag:s15], $0x13C0  }
0x8e: {  	[sflag:s15] =	ssyncset.done $0x0  }
0x8f: {  	[sflag:s15] =	ssyncadd.s32 $0xFFFFEC40  }
0x90: {  	_ =	sfence.sel $0x180000  }
0x91: {  	[bflag:$0x0] =	sbarrier.arrive $0xFFFF  }
0x92: {  	_ =	strace $0x9000004A  }
0x93: {  	s0 =	stileid.u32;
	[bflag:$0x2] =	sbarrier.arrive $0xFFFF  }
0x94: {  	p0 =	sne.s32 s0, $0x0;
	s0 =	rddreg [dreg:$0x2]  }
0x95: {  	s0 =	sadd.s32 @!p0 $0x100000, s0  }
0x96: {  	[sflag:s0] =	ssyncadd.tile.s32 @!p0 $0x1;
	_ =	shalt  }
.Lfunc_end2:
_tile_overlayer_lowered:
.L_overlay_start_2:
0x97: {  	(tag) =	ssettag $0x2  }
0x98: {  	s0 =	rddreg [dreg:$0x0];
	s2 =	stileid.u32  }
0x99: {  	s1 =	rddreg [dreg:$0x1];
	p0 =	sne.s32 s2, $0x0  }
0x9a: {  	s3 =	rddreg [dreg:$0x2];
	[bflag:$0x3] =	sbarrier.arrive $0xFFFF;
	s2 =	simm.s32 @!p0 $0x1C09  }
0x9b: {  	[timem:s3], [sflag:s2] =	dma.local @!p0 [hbm:s0], s1  }
0x9c: {  	s0 =	simm.s32 @!p0 $0x9  }
0x9d: {  	_ =	swait.ge @!p0 [sflag:s0], s1  }
0x9e: {  	s1 =	ssub.s32 @!p0 $0x0, s1;
	[sflag:s0] =	ssyncset.done @!p0 $0x0  }
0x9f: {  	[sflag:s0] =	ssyncadd.s32 @!p0 s1  }
0xa0: {  	[bflag:$0x3] =	sbarrier.arrive $0xFFFF  }
0xa1: {  	_ =	shalt  }

// kernel: kernel.15.cloned.1.call-start
scs
__scs_entry_jumppad:
0x0: {  	(pc) =	sbr.rel $0x88, $3  }
0x1: {  	(tag) =	ssettag $0x0;
	lr =	simm.s32 $0x1  }
0x2: {  	[smem:$0x3F98] =	sst lr;
	_ =	strace $0xD0000000  }
0x3: {  	_ = 	snop  }
0x4: {  	_ = 	snop  }
0x5: {  	_ = 	snop  }
0x6: {  	_ = 	snop  }
0x7: {  	_ = 	snop  }
__scs_overlays_trampoline_lowered:
0x8: {  	[smem:$0x3FA7] =	sst s0  }
0x9: {  	[smem:$0x3FA8] =	sst s1  }
0xa: {  	[smem:$0x3FA9] =	sst s2  }
0xb: {  	[smem:$0x3FAA] =	sst s3  }
0xc: {  	[smem:$0x3FAB] =	sst s4  }
0xd: {  	[smem:$0x3FAC] =	sst s5  }
0xe: {  	[smem:$0x3FAD] =	sst s6  }
0xf: {  	[smem:$0x3FAE] =	sst s7  }
0x10: {  	[smem:$0x3FAF] =	sst s8  }
0x11: {  	[smem:$0x3FB0] =	sst s9;
	s0 =	simm.s32 @!p0 $0x0  }
0x12: {  	s1 =	sld [smem:$0x3F96];
	s0 =	simm.s32 @p0 $0x1  }
0x13: {  	[smem:$0x3FB1] =	sst s0;
	s0 =	simm.s32 @!p1 $0x0  }
0x14: {  	s2 =	sld [smem:$0x3F95];
	s0 =	simm.s32 @p1 $0x1  }
0x15: {  	[smem:$0x3FB2] =	sst s0;
	s0 =	simm.s32 @!p2 $0x0  }
0x16: {  	s3 =	sld [smem:$0x3FDB];
	s0 =	simm.s32 @p2 $0x1  }
0x17: {  	s4 =	simm.s32 $0x1BF5;
	[smem:$0x3FB4] =	sst s0  }
0x18: {  	s0 =	sld [smem:$0x3F97];
	_ =	swait.ge [sflag:s4], $0x0  }
0x19: {  	s7 =	sld [smem:$0x3F98]  }
0x1a: {  	s8 =	sadd.s32 $0xFFFFE003, lr  }
0x1b: {  	s9 =	sadd.s32 $0xFFFFFEF7, lr;
	s5 =	simm.s32 $0xFFFFFFFF;
	p2 =	slt.u32 s8, $0xFFFFF086  }
0x1c: {  	p1 =	slt.u32 s9, $0xF7A;
	s5 =	simm.s32 @!p2 $0x0  }
0x1d: {  	s5 =	simm.s32 @p1 $0x1;
	p0 =	seq.s32 s7, s2  }
0x1e: {  	s7 =	smul.u32 @!p0 $0xF7A, s2;
	p2 =	seq.s32 @!p0 s5, $0x0  }
0x1f: {  	s9 =	smul.u32 $0xF7A, s1;
	s8 =	simm.s32 @!p0 $0x1BF5;
	p2 =	por !p2, p0  }
0x20: {  	[sflag:s8] =	ssyncset.s32 @!p0 $0xFFFFF086;
	s6 =	sadd.s32 @!p0 s3, s7;
	s7 =	simm.s32 @!p0 $0x108  }
0x21: {  	s3 =	sadd.s32 s3, s9;
	s6 =	sadd.s32 @!p0 $0x88, s6;
	s7 =	simm.s32 @p2 $0x1082  }
0x22: {  	[simem:s7], [sflag:s8] =	dma.local @!p0 [hbm:s6], $0xF7A  }
0x23: {  	s9 =	sor.u32 $0xD0000000, s2;
	s6 =	simm.s32 $0x108;
	_ =	swait.ge @!p0 [sflag:s8], $0x0  }
0x24: {  	s3 =	sadd.s32 $0x88, s3;
	s6 =	simm.s32 @!p1 $0x1082;
	[sflag:s4] =	ssyncset.s32 $0xFFFFF086  }
0x25: {  	[simem:s6], [sflag:s4] =	dma.local [hbm:s3], $0xF7A  }
0x26: {  	[smem:$0x3F98] =	sst s1;
	(tag) =	ssettag s2;
	_ =	strace s9  }
0x27: {  	s1 =	sld [smem:$0x3FA8]  }
0x28: {  	s2 =	sld [smem:$0x3FA9]  }
0x29: {  	s4 =	sld [smem:$0x3FAB]  }
0x2a: {  	p0 =	seq.s32 s5, $0x0;
	s5 =	sld [smem:$0x3FAC]  }
0x2b: {  	s6 =	sld [smem:$0x3FAD]  }
0x2c: {  	s7 =	sld [smem:$0x3FAE]  }
0x2d: {  	s3 =	simm.s32 $0x108;
	s8 =	sld [smem:$0x3FAF]  }
0x2e: {  	s3 =	simm.s32 @!p0 $0x1082;
	s9 =	sld [smem:$0x3FB0]  }
0x2f: {  	lr =	sadd.s32 s0, s3;
	s0 =	sld [smem:$0x3FA7]  }
0x30: {  	s3 =	sld [smem:$0x3FAA]  }
0x31: {  	[smem:$0x3FB3] =	sst s10  }
0x32: {  	s10 =	sld [smem:$0x3FB1];
	_ =	sdelay $0x3  }
0x33: {  	p0 =	seq.s32 s10, $0x1;
	s10 =	sld [smem:$0x3FB3];
	_ =	sdelay $0x3  }
0x34: {  	[smem:$0x3FB3] =	sst s10  }
0x35: {  	s10 =	sld [smem:$0x3FB2];
	_ =	sdelay $0x3  }
0x36: {  	p1 =	seq.s32 s10, $0x1;
	s10 =	sld [smem:$0x3FB3];
	_ =	sdelay $0x3  }
0x37: {  	[smem:$0x3FB3] =	sst s10  }
0x38: {  	s10 =	sld [smem:$0x3FB4]  }
0x39: {  	_ = 	snop;
	(pc) =	sbr.ind lr, $3  }
0x3a: {  	_ = 	snop  }
0x3b: {  	_ = 	snop  }
0x3c: {  	p2 =	seq.s32 s10, $0x1;
	s10 =	sld [smem:$0x3FB3]  }
0x3d: {  	_ =	shalt  }
0x3e: {  	_ =	shalt  }
0x3f: {  	_ =	shalt  }
0x40: {  	_ =	shalt  }
0x41: {  	_ =	shalt  }
0x42: {  	_ =	shalt  }
0x43: {  	_ =	shalt  }
0x44: {  	_ =	shalt  }
0x45: {  	_ =	shalt  }
0x46: {  	_ =	shalt  }
0x47: {  	_ =	shalt  }
0x48: {  	_ =	shalt  }
0x49: {  	_ =	shalt  }
0x4a: {  	_ =	shalt  }
0x4b: {  	_ =	shalt  }
0x4c: {  	_ =	shalt  }
0x4d: {  	_ =	shalt  }
0x4e: {  	_ =	shalt  }
0x4f: {  	_ =	shalt  }
0x50: {  	_ =	shalt  }
0x51: {  	_ =	shalt  }
0x52: {  	_ =	shalt  }
0x53: {  	_ =	shalt  }
0x54: {  	_ =	shalt  }
0x55: {  	_ =	shalt  }
0x56: {  	_ =	shalt  }
0x57: {  	_ =	shalt  }
0x58: {  	_ =	shalt  }
0x59: {  	_ =	shalt  }
0x5a: {  	_ =	shalt  }
0x5b: {  	_ =	shalt  }
0x5c: {  	_ =	shalt  }
0x5d: {  	_ =	shalt  }
0x5e: {  	_ =	shalt  }
0x5f: {  	_ =	shalt  }
0x60: {  	_ =	shalt  }
0x61: {  	_ =	shalt  }
0x62: {  	_ =	shalt  }
0x63: {  	_ =	shalt  }
0x64: {  	_ =	shalt  }
0x65: {  	_ =	shalt  }
0x66: {  	_ =	shalt  }
0x67: {  	_ =	shalt  }
0x68: {  	_ =	shalt  }
0x69: {  	_ =	shalt  }
0x6a: {  	_ =	shalt  }
0x6b: {  	_ =	shalt  }
0x6c: {  	_ =	shalt  }
0x6d: {  	_ =	shalt  }
0x6e: {  	_ =	shalt  }
0x6f: {  	_ =	shalt  }
0x70: {  	_ =	shalt  }
0x71: {  	_ =	shalt  }
0x72: {  	_ =	shalt  }
0x73: {  	_ =	shalt  }
0x74: {  	_ =	shalt  }
0x75: {  	_ =	shalt  }
0x76: {  	_ =	shalt  }
0x77: {  	_ =	shalt  }
0x78: {  	_ =	shalt  }
0x79: {  	_ =	shalt  }
0x7a: {  	_ =	shalt  }
0x7b: {  	_ =	shalt  }
0x7c: {  	_ =	shalt  }
0x7d: {  	_ =	shalt  }
0x7e: {  	_ =	shalt  }
0x7f: {  	_ =	shalt  }
0x80: {  	_ =	shalt  }
0x81: {  	_ =	shalt  }
0x82: {  	_ =	shalt  }
0x83: {  	_ =	shalt  }
0x84: {  	_ =	shalt  }
0x85: {  	_ =	shalt  }
0x86: {  	_ =	shalt  }
0x87: {  	_ =	shalt  }
.Lfunc_end0:
.L_simem_size_0:
called_computation.2_lowered:
.L_overlay_start_0:
0x88: {  	s2 =	sld [smem:$0x3FD9]  }
0x89: {  	s3 =	sld [smem:$0x3FFE];
	_ =	sdelay $0x1  }
0x8a: {  	s1 =	srdreg.scid  }
0x8b: {  	s0 =	sand.u32 $0x1, s1  }
0x8c: {  	s16 =	sshll.u32 s0, $0xA;
	s2 =	sadd.s32 s3, s2  }
0x8d: {  	s2 =	sadd.s32 s2, s16  }
0x8e: {  	[smem:$0x3FBF] =	sst s2  }
0x8f: {  	_ = 	snop  }
0x90: {  	(tm) =	ssettm $0x1  }
0x91: {  	s17 =	sld [smem:$0x3FFB];
	_ =	sdelay $0x3  }
0x92: {  	_ =	strace s17  }
0x93: {  	s2 =	sld [smem:$0x3FFC];
	_ =	sdelay $0x3  }
0x94: {  	_ =	strace s2  }
0x95: {  	s2 =	sld [smem:$0x3FFD];
	_ =	sdelay $0x3  }
0x96: {  	_ =	strace s2  }
0x97: {  	_ =	strace $0x8FFFFFFF  }
0x98: {  	s18 =	sld [smem:$0x3FDB];
	_ =	sdelay $0x1  }
0x99: {  	s19 =	simm.s32 $_scs_section_size  }
0x9a: {  	s4 =	simm.s32 $_size__tile_overlayer_lowered;
	s5 =	simm.s32 $_tile_overlayer_lowered  }
0x9b: {  	s22 =	simm.s32 $0x1BFF;
	s21 =	sshll.u32 s5, $0x1;
	s2 =	sadd.s32 s19, s18  }
0x9c: {  	s6 =	simm.s32 $0x0;
	s20 =	sshll.u32 s4, $0x1;
	s4 =	sadd.s32 s21, s2  }
0x9d: {  	[timem:s6], [sflag:s22] =	dma.local [hbm:s4], s20  }
0x9e: {  	_ =	swait.ge [sflag:s22], s20  }
0x9f: {  	s3 =	ssub.s32 $0x0, s20;
	[sflag:s22] =	ssyncset.done $0x0  }
0xa0: {  	[sflag:s22] =	ssyncadd.s32 s3;
	_ =	sdelay $0x1  }
0xa1: {  	s23 =	simm.s32 $0x1B8B  }
0xa2: {  	_ =	swait.ge [sflag:s23], $0x1  }
0xa3: {  	[sflag:s23] =	ssyncset.done $0x0  }
0xa4: {  	s25 =	simm.s32 $0x1B8E;
	s24 =	sld [smem:$0x3FFE];
	[sflag:s23] =	ssyncadd.s32 $0xFFFFFFFF  }
0xa5: {  	s26 =	simm.s32 $execute0_lowered;
	[smem:$0x3FD2] =	sst s25  }
0xa6: {  	s4 =	sshll.u32 s26, $0x1;
	_ =	strace $0x8000004C;
	[dreg:$0x1] =	wrdreg $0xFFFFFFFF  }
0xa7: {  	s28 =	simm.s32 $_size_execute0_lowered;
	s2 =	sadd.s32 s2, s4;
	[dreg:$0x0] =	wrdreg $0x0  }
0xa8: {  	s4 =	sshll.u32 s28, $0x1;
	[dreg:$0x2] =	wrdreg s2  }
0xa9: {  	[dreg:$0x3] =	wrdreg s4  }
0xaa: {  	[dreg:$0x4] =	wrdreg $0xC0  }
0xab: {  	_ =	task [dreg:s6], $0x5FFFF  }
0xac: {  	[dreg:$0x1] =	wrdreg $0xFFFFFFFF  }
0xad: {  	[dreg:$0x0] =	wrdreg $0x60  }
0xae: {  	[dreg:$0x2] =	wrdreg s24  }
0xaf: {  	[dreg:$0x3] =	wrdreg $0xD0000  }
0xb0: {  	[dreg:$0x4] =	wrdreg $0x9  }
0xb1: {  	_ =	task.clear_ibuf [dreg:s6], $0x5FFFF;
	_ =	strace $0x9000004C  }
0xb2: {  	s29 =	simm.s32 $0x9;
	_ =	strace $0x8000004E  }
0xb3: {  	_ =	swait.ge [sflag:s29], $0x1  }
0xb4: {  	[sflag:s29] =	ssyncadd.s32 $0xFFFFFFFF  }
0xb5: {  	_ =	strace $0x9000004E  }
0xb6: {  	_ =	sfence  }
0xb7: {  	s30 =	sld [smem:$0x0];
	_ =	sdelay $0x2  }
0xb8: {  	s31 =	sshll.u32 s1, $0xD;
	s1 =	sshrl.u32 s1, $0x2  }
0xb9: {  	s3 =	sand.u32 $0x4000, s31;
	s1 =	sadd.s32 s1, s30  }
0xba: {  	s0 =	sor.u32 s3, s0;
	s1 =	sshll.u32 s1, $0x11  }
0xbb: {  	s0 =	sor.u32 s1, s0  }
0xbc: {  	s0 =	sadd.s32 $0x8F2B, s0  }
0xbd: {  	[sflag:s0] =	ssyncadd.remote.s32 $0x1  }
0xbe: {  	_ =	sfence.sel $0xFFFF  }
0xbf: {  	[dreg:$0x0] =	wrdreg $0xFFFFFFFF;
	(pc) =	sbr.abs _section_cstart, $3  }
0xc0: {  	[dreg:$0x1] =	wrdreg $0xFFFFFFFF  }
0xc1: {  	_ =	task.clear_ibuf [dreg:s6], $0x2FFFF;
	_ =	strace $0x9FFFFFFF  }
0xc2: {  	(tm) =	ssettm $0x7FFFFFFF  }
0xc3: {  	_ =	shalt  }
tec
execute0_lowered:
.L_overlay_start_1:
0x0: {  	(tag) =	ssettag $0x1  }
0x1: {  	s0 =	srdreg.scid  }
0x2: {  	s13 =	stileid.u32;
	s5 =	rddreg [dreg:$0x0]  }
0x3: {  	s2 =	rddreg [dreg:$0x1];
	s3 =	simm.s32 $0x0;
	s15 =	simm.s32 $0x9  }
0x4: {  	s16 =	simm.s32 $0x2800;
	s17 =	simm.s32 $0x80;
	s18 =	simm.s32 $0x5000  }
0x5: {  	s19 =	simm.s32 $0x7000;
	s21 =	simm.s32 $0x9000;
	s29 =	simm.s32 $0x5  }
0x6: {  	s30 =	simm.s32 $0x3;
	s31 =	simm.s32 $0x6;
	s10 =	smul.u32 $0x9E00, s13  }
0x7: {  	s20 =	simm.s32 $0x8;
	s0 =	sand.u32 $0x1, s0;
	s8 =	smul.u32 $0x278, s13  }
0x8: {  	[smem:$0x7FF] =	sst s3;
	s4 =	sadd.s32 $0x16200, s5;
	s9 =	smul.u32 $0x27800, s13  }
0x9: {  	s7 =	sadd.s32 $0x29C00, s5;
	s1 =	sshll.u32 s0, $0x4;
	s6 =	smul.u32 $0x9E000, s0  }
0xa: {  	_ =	strace $0x8000004D;
	[dreg:$0x3] =	wrdreg s7;
	s22 =	ssub.s32 $0x2, s0  }
0xb: {  	p0 =	seq.s32 s0, $0x1;
	s1 =	sor.u32 s13, s1;
	s23 =	sshrl.u32 s22, $0x1  }
0xc: {  	s24 =	smin.u32 s8, $0x2498;
	s26 =	sshrl.u32 s9, $0x2;
	s28 =	sadd.s32 s10, s2  }
0xd: {  	s1 =	smul.u32 $0x2800, s1;
	s6 =	sadd.s32 s10, s6;
	s11 =	ssub.s32 s22, s23  }
0xe: {  	s25 =	sshll.u32 s24, $0x6;
	s0 =	sshll.u32 s24, $0x3;
	s23 =	simm.s32 $0xB000  }
0xf: {  	s24 =	simm.s32 $0x1;
	s22 =	simm.s32 $0x0;
	s6 =	sshrl.u32 s6, $0x3  }
0x10: {  	s14 =	sadd.s32 s25, s2;
	s0 =	sadd.s32 s4, s0;
	s10 =	smax.u32 s11, $0x1  }
0x11: {  	s25 =	sshrl.u32 s28, $0x3;
	s1 =	sshrl.u32 s1, $0x3;
	[dreg:$0x4] =	wrdreg s0  }
0x12: {  	s0 =	sadd.s32 s26, s2;
	s14 =	sshrl.u32 @!p0 s14, $0x3;
	s26 =	simm.s32 $0x2  }
0x13: {  	s1 =	sadd.s32 s1, s5;
	s5 =	sadd.s32 s6, s5;
	s12 =	sshrl.u32 @p0 s0, $0x3  }
0x14: {  	s0 =	sshll.u32 @!p0 s13, $0x6;
	s7 =	sadd.s32 $0x2200, s1;
	s8 =	sadd.s32 $0xC200, s1  }
0x15: {  	s9 =	sadd.s32 $0x2B000, s5;
	s5 =	sshll.u32 @p0 s13, $0x6;
	s13 =	sor.u32 @!p0 $0x1C09, s0  }
0x16: {  	s1 =	simm.s32 $0x4;
	s0 =	simm.s32 $0x7;
	s11 =	sor.u32 @p0 $0x1C09, s5  }
.LBB2_1:
0x17: {  	s5 =	rddreg [dreg:$0x3]  }
0x18: {  	[spmem:s12], [sflag:s11] =	dma.local @p0 [hbm:s5], $0x13C0  }
0x19: {  	s5 =	rddreg [dreg:$0x4]  }
0x1a: {  	[spmem:s14], [sflag:s13] =	dma.local @!p0 [hbm:s5], $0x13C0  }
0x1b: {  	_ =	swait.ge [sflag:s15], $0x13C0  }
0x1c: {  	[sflag:s15] =	ssyncset.done $0x0  }
0x1d: {  	[sflag:s15] =	ssyncadd.s32 $0xFFFFEC40  }
0x1e: {  	[tilespmem:s3], [sflag:$0x9] =	stream.linear.gather [hbm4b:s7+s3], $0x2800, $0x38;
	[tilespmem:$0x16E00] =	vst v63  }
0x1f: {  	_ =	swait.ge [sflag:s15], $0x2800  }
0x20: {  	[sflag:s15] =	ssyncset.done $0x0  }
0x21: {  	[sflag:s15] =	ssyncadd.s32 $0xFFFFD800  }
0x22: {  	[tilespmem:s16], [sflag:$0x9] =	stream.linear.gather [hbm4b:s8+s3], $0x2800, $0x38;
	[tilespmem:$0x16E00] =	vst v63  }
0x23: {  	_ =	swait.ge [sflag:s15], $0x2800  }
0x24: {  	[sflag:s15] =	ssyncset.done $0x0  }
0x25: {  	[sflag:s15] =	ssyncadd.s32 $0xFFFFD800  }
0x26: {  	[bflag:$0x0] =	sbarrier.arrive $0xFFFF  }
0x27: {  	[tilespmem:s18], [sflag:$0x1] =	stream.indirect.gather [hbm4b:s4+s17], $0x40, s3, s17, $0xb8;
	[tilespmem:$0x16E00] =	vst v63  }
0x28: {  	_ = 	snop  }
0x29: {  	[tilespmem:s19], [sflag:$0x2] =	stream.indirect.gather [hbm4b:s4+s17], $0x40, s17, s17, $0xb8;
	[tilespmem:$0x16E00] =	vst v63  }
0x2a: {  	s6 =	simm.s32 $0x100  }
0x2b: {  	[tilespmem:s21], [sflag:$0x3] =	stream.indirect.gather [hbm4b:s4+s17], $0x40, s6, s17, $0xb8;
	[tilespmem:$0x16E00] =	vst v63  }
0x2c: {  	s6 =	simm.s32 $0x180  }
0x2d: {  	[tilespmem:s23], [sflag:$0x4] =	stream.indirect.gather [hbm4b:s4+s17], $0x40, s6, s17, $0xb8;
	[tilespmem:$0x16E00] =	vst v63  }
0x2e: {  	_ =	swait.ge [sflag:s24], $0x2000  }
0x2f: {  	[sflag:s24] =	ssyncset.done $0x0  }
0x30: {  	[sflag:s24] =	ssyncadd.s32 $0xFFFFE000  }
0x31: {  	[spmem:s2] =	stream.indirect.scatter.add.f32 [tilespmem:s18], [sflag:$0x5], $0x40, s16, s17, $0xb8;
	[tilespmem:$0x16E00] =	vst v63  }
0x32: {  	_ =	swait.ge [sflag:s26], $0x2000  }
0x33: {  	[sflag:s26] =	ssyncset.done $0x0  }
0x34: {  	s6 =	simm.s32 $0x2880;
	[sflag:s26] =	ssyncadd.s32 $0xFFFFE000  }
0x35: {  	[spmem:s2] =	stream.indirect.scatter.add.f32 [tilespmem:s19], [sflag:$0x6], $0x40, s6, s17, $0xb8;
	[tilespmem:$0x16E00] =	vst v63  }
0x36: {  	_ =	swait.ge [sflag:s29], $0x2000  }
0x37: {  	[sflag:s29] =	ssyncset.done $0x0  }
0x38: {  	s6 =	simm.s32 $0x200;
	[sflag:s29] =	ssyncadd.s32 $0xFFFFE000  }
0x39: {  	[tilespmem:s18], [sflag:$0x1] =	stream.indirect.gather [hbm4b:s4+s17], $0x40, s6, s17, $0xb8;
	[tilespmem:$0x16E00] =	vst v63  }
0x3a: {  	_ =	swait.ge [sflag:s30], $0x2000  }
0x3b: {  	[sflag:s30] =	ssyncset.done $0x0  }
0x3c: {  	s6 =	simm.s32 $0x2900;
	[sflag:s30] =	ssyncadd.s32 $0xFFFFE000  }
0x3d: {  	[spmem:s2] =	stream.indirect.scatter.add.f32 [tilespmem:s21], [sflag:$0x7], $0x40, s6, s17, $0xb8;
	[tilespmem:$0x16E00] =	vst v63  }
0x3e: {  	_ =	swait.ge [sflag:s31], $0x2000  }
0x3f: {  	[sflag:s31] =	ssyncset.done $0x0  }
0x40: {  	s6 =	simm.s32 $0x280;
	[sflag:s31] =	ssyncadd.s32 $0xFFFFE000  }
0x41: {  	[tilespmem:s19], [sflag:$0x2] =	stream.indirect.gather [hbm4b:s4+s17], $0x40, s6, s17, $0xb8;
	[tilespmem:$0x16E00] =	vst v63  }
0x42: {  	_ =	swait.ge [sflag:s1], $0x2000  }
0x43: {  	[sflag:s1] =	ssyncset.done $0x0  }
0x44: {  	s6 =	simm.s32 $0x2980;
	[sflag:s1] =	ssyncadd.s32 $0xFFFFE000  }
0x45: {  	[spmem:s2] =	stream.indirect.scatter.add.f32 [tilespmem:s23], [sflag:$0x8], $0x40, s6, s17, $0xb8;
	[tilespmem:$0x16E00] =	vst v63  }
0x46: {  	_ =	swait.ge [sflag:s0], $0x2000  }
0x47: {  	[sflag:s0] =	ssyncset.done $0x0  }
0x48: {  	s6 =	simm.s32 $0x300;
	[sflag:s0] =	ssyncadd.s32 $0xFFFFE000  }
0x49: {  	[tilespmem:s21], [sflag:$0x3] =	stream.indirect.gather [hbm4b:s4+s17], $0x40, s6, s17, $0xb8;
	[tilespmem:$0x16E00] =	vst v63  }
0x4a: {  	_ =	swait.ge [sflag:s24], $0x2000  }
0x4b: {  	[sflag:s24] =	ssyncset.done $0x0  }
0x4c: {  	s6 =	simm.s32 $0x2A00;
	[sflag:s24] =	ssyncadd.s32 $0xFFFFE000  }
0x4d: {  	[spmem:s2] =	stream.indirect.scatter.add.f32 [tilespmem:s18], [sflag:$0x5], $0x40, s6, s17, $0xb8;
	[tilespmem:$0x16E00] =	vst v63  }
0x4e: {  	_ =	swait.ge [sflag:s20], $0x2000  }
0x4f: {  	[sflag:s20] =	ssyncset.done $0x0  }
0x50: {  	s6 =	simm.s32 $0x380;
	[sflag:s20] =	ssyncadd.s32 $0xFFFFE000  }
0x51: {  	[tilespmem:s23], [sflag:$0x4] =	stream.indirect.gather [hbm4b:s4+s17], $0x40, s6, s17, $0xb8;
	[tilespmem:$0x16E00] =	vst v63  }
0x52: {  	_ =	swait.ge [sflag:s26], $0x2000  }
0x53: {  	[sflag:s26] =	ssyncset.done $0x0  }
0x54: {  	s28 =	simm.s32 $0x800;
	s5 =	simm.s32 $0x2A80;
	[sflag:s26] =	ssyncadd.s32 $0xFFFFE000  }
.LBB2_2:
0x55: {  	[spmem:s2] =	stream.indirect.scatter.add.f32 [tilespmem:s19], [sflag:$0x6], $0x40, s5, s17, $0xb8;
	[tilespmem:$0x16E00] =	vst v63  }
0x56: {  	s5 =	smov.u32 s28  }
0x57: {  	p1 =	sne.s32 s28, $0x9000;
	s28 =	sadd.s32 $0x800, s28;
	_ =	swait.ge [sflag:s29], $0x2000  }
0x58: {  	s5 =	sshra.s32 s5, $0x2;
	[sflag:s29] =	ssyncset.done $0x0  }
0x59: {  	s6 =	sadd.s32 $0x200, s5;
	[sflag:s29] =	ssyncadd.s32 $0xFFFFE000  }
0x5a: {  	[tilespmem:s18], [sflag:$0x1] =	stream.indirect.gather [hbm4b:s4+s17], $0x40, s6, s17, $0xb8;
	[tilespmem:$0x16E00] =	vst v63  }
0x5b: {  	_ =	swait.ge [sflag:s30], $0x2000  }
0x5c: {  	[sflag:s30] =	ssyncset.done $0x0  }
0x5d: {  	s6 =	sadd.s32 $0x2900, s5;
	[sflag:s30] =	ssyncadd.s32 $0xFFFFE000  }
0x5e: {  	[spmem:s2] =	stream.indirect.scatter.add.f32 [tilespmem:s21], [sflag:$0x7], $0x40, s6, s17, $0xb8;
	[tilespmem:$0x16E00] =	vst v63  }
0x5f: {  	_ =	swait.ge [sflag:s31], $0x2000  }
0x60: {  	[sflag:s31] =	ssyncset.done $0x0  }
0x61: {  	s6 =	sadd.s32 $0x280, s5;
	[sflag:s31] =	ssyncadd.s32 $0xFFFFE000  }
0x62: {  	[tilespmem:s19], [sflag:$0x2] =	stream.indirect.gather [hbm4b:s4+s17], $0x40, s6, s17, $0xb8;
	[tilespmem:$0x16E00] =	vst v63  }
0x63: {  	_ =	swait.ge [sflag:s1], $0x2000  }
0x64: {  	[sflag:s1] =	ssyncset.done $0x0  }
0x65: {  	s6 =	sadd.s32 $0x2980, s5;
	[sflag:s1] =	ssyncadd.s32 $0xFFFFE000  }
0x66: {  	[spmem:s2] =	stream.indirect.scatter.add.f32 [tilespmem:s23], [sflag:$0x8], $0x40, s6, s17, $0xb8;
	[tilespmem:$0x16E00] =	vst v63  }
0x67: {  	_ =	swait.ge [sflag:s0], $0x2000  }
0x68: {  	[sflag:s0] =	ssyncset.done $0x0  }
0x69: {  	s6 =	sadd.s32 $0x300, s5;
	[sflag:s0] =	ssyncadd.s32 $0xFFFFE000  }
0x6a: {  	[tilespmem:s21], [sflag:$0x3] =	stream.indirect.gather [hbm4b:s4+s17], $0x40, s6, s17, $0xb8;
	[tilespmem:$0x16E00] =	vst v63  }
0x6b: {  	_ =	swait.ge [sflag:s24], $0x2000  }
0x6c: {  	[sflag:s24] =	ssyncset.done $0x0  }
0x6d: {  	s6 =	sadd.s32 $0x2A00, s5;
	[sflag:s24] =	ssyncadd.s32 $0xFFFFE000  }
0x6e: {  	[spmem:s2] =	stream.indirect.scatter.add.f32 [tilespmem:s18], [sflag:$0x5], $0x40, s6, s17, $0xb8;
	[tilespmem:$0x16E00] =	vst v63  }
0x6f: {  	_ =	swait.ge [sflag:s20], $0x2000  }
0x70: {  	[sflag:s20] =	ssyncset.done $0x0  }
.Ltmp0:
0x71: {  	s6 =	sadd.s32 $0x380, s5;
	[sflag:s20] =	ssyncadd.s32 $0xFFFFE000;
	(pc) =	sbr.rel @p1 .LBB2_2-.Ltmp0, $4  }
0x72: {  	[tilespmem:s23], [sflag:$0x4] =	stream.indirect.gather [hbm4b:s4+s17], $0x40, s6, s17, $0xb8;
	[tilespmem:$0x16E00] =	vst v63  }
0x73: {  	_ =	swait.ge [sflag:s26], $0x2000  }
0x74: {  	[sflag:s26] =	ssyncset.done $0x0  }
0x75: {  	s5 =	sadd.s32 $0x2A80, s5;
	[sflag:s26] =	ssyncadd.s32 $0xFFFFE000  }
0x76: {  	[spmem:s2] =	stream.indirect.scatter.add.f32 [tilespmem:s19], [sflag:$0x6], $0x40, s5, s17, $0xb8;
	[tilespmem:$0x16E00] =	vst v63  }
0x77: {  	_ =	swait.ge [sflag:s30], $0x2000  }
0x78: {  	[sflag:s30] =	ssyncset.done $0x0  }
0x79: {  	s28 =	simm.s32 $0x4F00;
	[sflag:s30] =	ssyncadd.s32 $0xFFFFE000  }
0x7a: {  	[spmem:s2] =	stream.indirect.scatter.add.f32 [tilespmem:s21], [sflag:$0x7], $0x40, s28, s17, $0xb8;
	[tilespmem:$0x16E00] =	vst v63  }
0x7b: {  	_ =	swait.ge [sflag:s1], $0x2000  }
0x7c: {  	[sflag:s1] =	ssyncset.done $0x0  }
0x7d: {  	s6 =	simm.s32 $0x4F80;
	[sflag:s1] =	ssyncadd.s32 $0xFFFFE000  }
0x7e: {  	[spmem:s2] =	stream.indirect.scatter.add.f32 [tilespmem:s23], [sflag:$0x8], $0x40, s6, s17, $0xb8;
	[tilespmem:$0x16E00] =	vst v63  }
0x7f: {  	_ =	swait.ge [sflag:s29], $0x2000  }
0x80: {  	[sflag:s29] =	ssyncset.done $0x0  }
0x81: {  	[sflag:s29] =	ssyncadd.s32 $0xFFFFE000  }
0x82: {  	_ =	swait.ge [sflag:s31], $0x2000  }
0x83: {  	[sflag:s31] =	ssyncset.done $0x0  }
0x84: {  	[sflag:s31] =	ssyncadd.s32 $0xFFFFE000  }
0x85: {  	_ =	swait.ge [sflag:s0], $0x2000  }
0x86: {  	[sflag:s0] =	ssyncset.done $0x0  }
0x87: {  	[sflag:s0] =	ssyncadd.s32 $0xFFFFE000  }
0x88: {  	_ =	swait.ge [sflag:s20], $0x2000  }
0x89: {  	s22 =	sadd.s32 $0x1, s22;
	s28 =	stileid.u32;
	[sflag:s20] =	ssyncset.done $0x0  }
0x8a: {  	p1 =	sne.s32 s22, s10;
	s5 =	sshll.u32 s28, $0x6;
	[sflag:s20] =	ssyncadd.s32 $0xFFFFE000  }
.Ltmp1:
0x8b: {  	s5 =	sor.u32 $0x1C09, s5;
	[bflag:$0x0] =	sbarrier.arrive $0xFFFF;
	(pc) =	sbr.rel @p1 .LBB2_1-.Ltmp1, $4  }
0x8c: {  	[hbm:s9], [sflag:s5] =	dma.local [spmem:s25], $0x13C0  }
0x8d: {  	_ =	swait.ge [sflag:s15], $0x13C0  }
0x8e: {  	[sflag:s15] =	ssyncset.done $0x0  }
0x8f: {  	[sflag:s15] =	ssyncadd.s32 $0xFFFFEC40  }
0x90: {  	_ =	sfence.sel $0x180000  }
0x91: {  	[bflag:$0x0] =	sbarrier.arrive $0xFFFF  }
0x92: {  	_ =	strace $0x9000004D  }
0x93: {  	s0 =	stileid.u32;
	[bflag:$0x2] =	sbarrier.arrive $0xFFFF  }
0x94: {  	p0 =	sne.s32 s0, $0x0;
	s0 =	rddreg [dreg:$0x2]  }
0x95: {  	s0 =	sadd.s32 @!p0 $0x100000, s0  }
0x96: {  	[sflag:s0] =	ssyncadd.tile.s32 @!p0 $0x1;
	_ =	shalt  }
.Lfunc_end2:
_tile_overlayer_lowered:
.L_overlay_start_2:
0x97: {  	(tag) =	ssettag $0x2  }
0x98: {  	s0 =	rddreg [dreg:$0x0];
	s2 =	stileid.u32  }
0x99: {  	s1 =	rddreg [dreg:$0x1];
	p0 =	sne.s32 s2, $0x0  }
0x9a: {  	s3 =	rddreg [dreg:$0x2];
	[bflag:$0x3] =	sbarrier.arrive $0xFFFF;
	s2 =	simm.s32 @!p0 $0x1C09  }
0x9b: {  	[timem:s3], [sflag:s2] =	dma.local @!p0 [hbm:s0], s1  }
0x9c: {  	s0 =	simm.s32 @!p0 $0x9  }
0x9d: {  	_ =	swait.ge @!p0 [sflag:s0], s1  }
0x9e: {  	s1 =	ssub.s32 @!p0 $0x0, s1;
	[sflag:s0] =	ssyncset.done @!p0 $0x0  }
0x9f: {  	[sflag:s0] =	ssyncadd.s32 @!p0 s1  }
0xa0: {  	[bflag:$0x3] =	sbarrier.arrive $0xFFFF  }
0xa1: {  	_ =	shalt  }

// kernel: kernel.9.cloned.1.call-start
scs
__scs_entry_jumppad:
0x0: {  	(pc) =	sbr.rel $0x88, $3  }
0x1: {  	(tag) =	ssettag $0x0;
	lr =	simm.s32 $0x1  }
0x2: {  	[smem:$0x3F98] =	sst lr;
	_ =	strace $0xD0000000  }
0x3: {  	_ = 	snop  }
0x4: {  	_ = 	snop  }
0x5: {  	_ = 	snop  }
0x6: {  	_ = 	snop  }
0x7: {  	_ = 	snop  }
__scs_overlays_trampoline_lowered:
0x8: {  	[smem:$0x3FA7] =	sst s0  }
0x9: {  	[smem:$0x3FA8] =	sst s1  }
0xa: {  	[smem:$0x3FA9] =	sst s2  }
0xb: {  	[smem:$0x3FAA] =	sst s3  }
0xc: {  	[smem:$0x3FAB] =	sst s4  }
0xd: {  	[smem:$0x3FAC] =	sst s5  }
0xe: {  	[smem:$0x3FAD] =	sst s6  }
0xf: {  	[smem:$0x3FAE] =	sst s7  }
0x10: {  	[smem:$0x3FAF] =	sst s8  }
0x11: {  	[smem:$0x3FB0] =	sst s9;
	s0 =	simm.s32 @!p0 $0x0  }
0x12: {  	s1 =	sld [smem:$0x3F96];
	s0 =	simm.s32 @p0 $0x1  }
0x13: {  	[smem:$0x3FB1] =	sst s0;
	s0 =	simm.s32 @!p1 $0x0  }
0x14: {  	s2 =	sld [smem:$0x3F95];
	s0 =	simm.s32 @p1 $0x1  }
0x15: {  	[smem:$0x3FB2] =	sst s0;
	s0 =	simm.s32 @!p2 $0x0  }
0x16: {  	s3 =	sld [smem:$0x3FDB];
	s0 =	simm.s32 @p2 $0x1  }
0x17: {  	s4 =	simm.s32 $0x1BF5;
	[smem:$0x3FB4] =	sst s0  }
0x18: {  	s0 =	sld [smem:$0x3F97];
	_ =	swait.ge [sflag:s4], $0x0  }
0x19: {  	s7 =	sld [smem:$0x3F98]  }
0x1a: {  	s8 =	sadd.s32 $0xFFFFE003, lr  }
0x1b: {  	s9 =	sadd.s32 $0xFFFFFEF7, lr;
	s5 =	simm.s32 $0xFFFFFFFF;
	p2 =	slt.u32 s8, $0xFFFFF086  }
0x1c: {  	p1 =	slt.u32 s9, $0xF7A;
	s5 =	simm.s32 @!p2 $0x0  }
0x1d: {  	s5 =	simm.s32 @p1 $0x1;
	p0 =	seq.s32 s7, s2  }
0x1e: {  	s7 =	smul.u32 @!p0 $0xF7A, s2;
	p2 =	seq.s32 @!p0 s5, $0x0  }
0x1f: {  	s9 =	smul.u32 $0xF7A, s1;
	s8 =	simm.s32 @!p0 $0x1BF5;
	p2 =	por !p2, p0  }
0x20: {  	[sflag:s8] =	ssyncset.s32 @!p0 $0xFFFFF086;
	s6 =	sadd.s32 @!p0 s3, s7;
	s7 =	simm.s32 @!p0 $0x108  }
0x21: {  	s3 =	sadd.s32 s3, s9;
	s6 =	sadd.s32 @!p0 $0x88, s6;
	s7 =	simm.s32 @p2 $0x1082  }
0x22: {  	[simem:s7], [sflag:s8] =	dma.local @!p0 [hbm:s6], $0xF7A  }
0x23: {  	s9 =	sor.u32 $0xD0000000, s2;
	s6 =	simm.s32 $0x108;
	_ =	swait.ge @!p0 [sflag:s8], $0x0  }
0x24: {  	s3 =	sadd.s32 $0x88, s3;
	s6 =	simm.s32 @!p1 $0x1082;
	[sflag:s4] =	ssyncset.s32 $0xFFFFF086  }
0x25: {  	[simem:s6], [sflag:s4] =	dma.local [hbm:s3], $0xF7A  }
0x26: {  	[smem:$0x3F98] =	sst s1;
	(tag) =	ssettag s2;
	_ =	strace s9  }
0x27: {  	s1 =	sld [smem:$0x3FA8]  }
0x28: {  	s2 =	sld [smem:$0x3FA9]  }
0x29: {  	s4 =	sld [smem:$0x3FAB]  }
0x2a: {  	p0 =	seq.s32 s5, $0x0;
	s5 =	sld [smem:$0x3FAC]  }
0x2b: {  	s6 =	sld [smem:$0x3FAD]  }
0x2c: {  	s7 =	sld [smem:$0x3FAE]  }
0x2d: {  	s3 =	simm.s32 $0x108;
	s8 =	sld [smem:$0x3FAF]  }
0x2e: {  	s3 =	simm.s32 @!p0 $0x1082;
	s9 =	sld [smem:$0x3FB0]  }
0x2f: {  	lr =	sadd.s32 s0, s3;
	s0 =	sld [smem:$0x3FA7]  }
0x30: {  	s3 =	sld [smem:$0x3FAA]  }
0x31: {  	[smem:$0x3FB3] =	sst s10  }
0x32: {  	s10 =	sld [smem:$0x3FB1];
	_ =	sdelay $0x3  }
0x33: {  	p0 =	seq.s32 s10, $0x1;
	s10 =	sld [smem:$0x3FB3];
	_ =	sdelay $0x3  }
0x34: {  	[smem:$0x3FB3] =	sst s10  }
0x35: {  	s10 =	sld [smem:$0x3FB2];
	_ =	sdelay $0x3  }
0x36: {  	p1 =	seq.s32 s10, $0x1;
	s10 =	sld [smem:$0x3FB3];
	_ =	sdelay $0x3  }
0x37: {  	[smem:$0x3FB3] =	sst s10  }
0x38: {  	s10 =	sld [smem:$0x3FB4]  }
0x39: {  	_ = 	snop;
	(pc) =	sbr.ind lr, $3  }
0x3a: {  	_ = 	snop  }
0x3b: {  	_ = 	snop  }
0x3c: {  	p2 =	seq.s32 s10, $0x1;
	s10 =	sld [smem:$0x3FB3]  }
0x3d: {  	_ =	shalt  }
0x3e: {  	_ =	shalt  }
0x3f: {  	_ =	shalt  }
0x40: {  	_ =	shalt  }
0x41: {  	_ =	shalt  }
0x42: {  	_ =	shalt  }
0x43: {  	_ =	shalt  }
0x44: {  	_ =	shalt  }
0x45: {  	_ =	shalt  }
0x46: {  	_ =	shalt  }
0x47: {  	_ =	shalt  }
0x48: {  	_ =	shalt  }
0x49: {  	_ =	shalt  }
0x4a: {  	_ =	shalt  }
0x4b: {  	_ =	shalt  }
0x4c: {  	_ =	shalt  }
0x4d: {  	_ =	shalt  }
0x4e: {  	_ =	shalt  }
0x4f: {  	_ =	shalt  }
0x50: {  	_ =	shalt  }
0x51: {  	_ =	shalt  }
0x52: {  	_ =	shalt  }
0x53: {  	_ =	shalt  }
0x54: {  	_ =	shalt  }
0x55: {  	_ =	shalt  }
0x56: {  	_ =	shalt  }
0x57: {  	_ =	shalt  }
0x58: {  	_ =	shalt  }
0x59: {  	_ =	shalt  }
0x5a: {  	_ =	shalt  }
0x5b: {  	_ =	shalt  }
0x5c: {  	_ =	shalt  }
0x5d: {  	_ =	shalt  }
0x5e: {  	_ =	shalt  }
0x5f: {  	_ =	shalt  }
0x60: {  	_ =	shalt  }
0x61: {  	_ =	shalt  }
0x62: {  	_ =	shalt  }
0x63: {  	_ =	shalt  }
0x64: {  	_ =	shalt  }
0x65: {  	_ =	shalt  }
0x66: {  	_ =	shalt  }
0x67: {  	_ =	shalt  }
0x68: {  	_ =	shalt  }
0x69: {  	_ =	shalt  }
0x6a: {  	_ =	shalt  }
0x6b: {  	_ =	shalt  }
0x6c: {  	_ =	shalt  }
0x6d: {  	_ =	shalt  }
0x6e: {  	_ =	shalt  }
0x6f: {  	_ =	shalt  }
0x70: {  	_ =	shalt  }
0x71: {  	_ =	shalt  }
0x72: {  	_ =	shalt  }
0x73: {  	_ =	shalt  }
0x74: {  	_ =	shalt  }
0x75: {  	_ =	shalt  }
0x76: {  	_ =	shalt  }
0x77: {  	_ =	shalt  }
0x78: {  	_ =	shalt  }
0x79: {  	_ =	shalt  }
0x7a: {  	_ =	shalt  }
0x7b: {  	_ =	shalt  }
0x7c: {  	_ =	shalt  }
0x7d: {  	_ =	shalt  }
0x7e: {  	_ =	shalt  }
0x7f: {  	_ =	shalt  }
0x80: {  	_ =	shalt  }
0x81: {  	_ =	shalt  }
0x82: {  	_ =	shalt  }
0x83: {  	_ =	shalt  }
0x84: {  	_ =	shalt  }
0x85: {  	_ =	shalt  }
0x86: {  	_ =	shalt  }
0x87: {  	_ =	shalt  }
.Lfunc_end0:
.L_simem_size_0:
called_computation_lowered:
.L_overlay_start_0:
0x88: {  	s2 =	sld [smem:$0x3FD9]  }
0x89: {  	s3 =	sld [smem:$0x3FFE];
	_ =	sdelay $0x1  }
0x8a: {  	s1 =	srdreg.scid  }
0x8b: {  	s0 =	sand.u32 $0x1, s1  }
0x8c: {  	s16 =	sshll.u32 s0, $0xA;
	s2 =	sadd.s32 s3, s2  }
0x8d: {  	s2 =	sadd.s32 s2, s16  }
0x8e: {  	[smem:$0x3FBF] =	sst s2  }
0x8f: {  	_ = 	snop  }
0x90: {  	(tm) =	ssettm $0x1  }
0x91: {  	s17 =	sld [smem:$0x3FFB];
	_ =	sdelay $0x3  }
0x92: {  	_ =	strace s17  }
0x93: {  	s2 =	sld [smem:$0x3FFC];
	_ =	sdelay $0x3  }
0x94: {  	_ =	strace s2  }
0x95: {  	s2 =	sld [smem:$0x3FFD];
	_ =	sdelay $0x3  }
0x96: {  	_ =	strace s2  }
0x97: {  	_ =	strace $0x8FFFFFFF  }
0x98: {  	s18 =	sld [smem:$0x3FDB];
	_ =	sdelay $0x1  }
0x99: {  	s19 =	simm.s32 $_scs_section_size  }
0x9a: {  	s4 =	simm.s32 $_size__tile_overlayer_lowered;
	s5 =	simm.s32 $_tile_overlayer_lowered  }
0x9b: {  	s22 =	simm.s32 $0x1BFF;
	s21 =	sshll.u32 s5, $0x1;
	s2 =	sadd.s32 s19, s18  }
0x9c: {  	s6 =	simm.s32 $0x0;
	s20 =	sshll.u32 s4, $0x1;
	s4 =	sadd.s32 s21, s2  }
0x9d: {  	[timem:s6], [sflag:s22] =	dma.local [hbm:s4], s20  }
0x9e: {  	_ =	swait.ge [sflag:s22], s20  }
0x9f: {  	s3 =	ssub.s32 $0x0, s20;
	[sflag:s22] =	ssyncset.done $0x0  }
0xa0: {  	[sflag:s22] =	ssyncadd.s32 s3;
	_ =	sdelay $0x1  }
0xa1: {  	s23 =	simm.s32 $0x1B8B  }
0xa2: {  	_ =	swait.ge [sflag:s23], $0x1  }
0xa3: {  	[sflag:s23] =	ssyncset.done $0x0  }
0xa4: {  	s25 =	simm.s32 $0x1B8E;
	s24 =	sld [smem:$0x3FFE];
	[sflag:s23] =	ssyncadd.s32 $0xFFFFFFFF  }
0xa5: {  	s26 =	simm.s32 $execute0_lowered;
	[smem:$0x3FD2] =	sst s25  }
0xa6: {  	s4 =	sshll.u32 s26, $0x1;
	_ =	strace $0x80000046;
	[dreg:$0x1] =	wrdreg $0xFFFFFFFF  }
0xa7: {  	s28 =	simm.s32 $_size_execute0_lowered;
	s2 =	sadd.s32 s2, s4;
	[dreg:$0x0] =	wrdreg $0x0  }
0xa8: {  	s4 =	sshll.u32 s28, $0x1;
	[dreg:$0x2] =	wrdreg s2  }
0xa9: {  	[dreg:$0x3] =	wrdreg s4  }
0xaa: {  	[dreg:$0x4] =	wrdreg $0xC0  }
0xab: {  	_ =	task [dreg:s6], $0x5FFFF  }
0xac: {  	[dreg:$0x1] =	wrdreg $0xFFFFFFFF  }
0xad: {  	[dreg:$0x0] =	wrdreg $0x60  }
0xae: {  	[dreg:$0x2] =	wrdreg s24  }
0xaf: {  	[dreg:$0x3] =	wrdreg $0x30000  }
0xb0: {  	[dreg:$0x4] =	wrdreg $0x9  }
0xb1: {  	_ =	task.clear_ibuf [dreg:s6], $0x5FFFF;
	_ =	strace $0x90000046  }
0xb2: {  	s29 =	simm.s32 $0x9;
	_ =	strace $0x80000048  }
0xb3: {  	_ =	swait.ge [sflag:s29], $0x1  }
0xb4: {  	[sflag:s29] =	ssyncadd.s32 $0xFFFFFFFF  }
0xb5: {  	_ =	strace $0x90000048  }
0xb6: {  	_ =	sfence  }
0xb7: {  	s30 =	sld [smem:$0x0];
	_ =	sdelay $0x2  }
0xb8: {  	s31 =	sshll.u32 s1, $0xD;
	s1 =	sshrl.u32 s1, $0x2  }
0xb9: {  	s3 =	sand.u32 $0x4000, s31;
	s1 =	sadd.s32 s1, s30  }
0xba: {  	s0 =	sor.u32 s3, s0;
	s1 =	sshll.u32 s1, $0x11  }
0xbb: {  	s0 =	sor.u32 s1, s0  }
0xbc: {  	s0 =	sadd.s32 $0x8F2B, s0  }
0xbd: {  	[sflag:s0] =	ssyncadd.remote.s32 $0x1  }
0xbe: {  	_ =	sfence.sel $0xFFFF  }
0xbf: {  	[dreg:$0x0] =	wrdreg $0xFFFFFFFF;
	(pc) =	sbr.abs _section_cstart, $3  }
0xc0: {  	[dreg:$0x1] =	wrdreg $0xFFFFFFFF  }
0xc1: {  	_ =	task.clear_ibuf [dreg:s6], $0x2FFFF;
	_ =	strace $0x9FFFFFFF  }
0xc2: {  	(tm) =	ssettm $0x7FFFFFFF  }
0xc3: {  	_ =	shalt  }
tec
execute0_lowered:
.L_overlay_start_1:
0x0: {  	(tag) =	ssettag $0x1  }
0x1: {  	s7 =	rddreg [dreg:$0x0]  }
0x2: {  	s2 =	rddreg [dreg:$0x1];
	s0 =	stileid.u32  }
0x3: {  	s5 =	srdreg.scid;
	s1 =	rddreg [dreg:$0x2]  }
0x4: {  	s3 =	simm.s32 $0x0;
	s12 =	simm.s32 $0x2800;
	s13 =	simm.s32 $0x80  }
0x5: {  	s14 =	simm.s32 $0x1;
	s15 =	simm.s32 $0x0;
	s4 =	smul.u32 $0x2780, s0  }
0x6: {  	s5 =	sand.u32 $0x1, s5;
	[smem:$0x7FF] =	sst s3;
	s31 =	sshll.u32 s0, $0x6  }
0x7: {  	s8 =	smul.u32 $0x27800, s5;
	_ =	strace $0x80000047;
	s9 =	sshll.u32 s5, $0x4  }
0x8: {  	s5 =	ssub.s32 $0x2, s5;
	s6 =	sshrl.u32 s4, $0x3;
	s9 =	sor.u32 s0, s9  }
0x9: {  	s10 =	sshrl.u32 s5, $0x1;
	s11 =	sadd.s32 s4, s2;
	s6 =	sadd.s32 s6, s7  }
0xa: {  	s8 =	sadd.s32 s4, s8;
	s9 =	smul.u32 $0x2800, s9;
	s10 =	ssub.s32 s5, s10  }
0xb: {  	s5 =	sor.u32 $0x1C02, s31;
	s8 =	sshrl.u32 s8, $0x3;
	s4 =	sadd.s32 $0x16200, s6  }
0xc: {  	s6 =	sadd.s32 $0x1B100, s7;
	s8 =	sadd.s32 s8, s7;
	s9 =	sshrl.u32 s9, $0x3  }
0xd: {  	s7 =	sadd.s32 s7, s9;
	s8 =	sadd.s32 $0x1B200, s8;
	s9 =	smax.u32 s10, $0x1  }
0xe: {  	s10 =	sshrl.u32 s11, $0x3;
	s11 =	simm.s32 $0x2;
	s7 =	sadd.s32 $0xC200, s7  }
.LBB2_1:
0xf: {  	[spmem:s10], [sflag:s5] =	dma.local [hbm:s4], $0x4F0  }
0x10: {  	_ =	swait.ge [sflag:s11], $0x4F0  }
0x11: {  	[sflag:s11] =	ssyncset.done $0x0  }
0x12: {  	[sflag:s11] =	ssyncadd.s32 $0xFFFFFB10  }
0x13: {  	[tilespmem:s12], [sflag:$0x2] =	stream.linear.gather [hbm4b:s6+s3], $0x800, $0x38;
	[tilespmem:$0x5780] =	vst v63  }
0x14: {  	_ =	swait.ge [sflag:s11], $0x800  }
0x15: {  	[sflag:s11] =	ssyncset.done $0x0  }
0x16: {  	[sflag:s11] =	ssyncadd.s32 $0xFFFFF800  }
0x17: {  	[tilespmem:s3], [sflag:$0x2] =	stream.linear.gather [hbm4b:s7+s3], $0x2800, $0x38;
	[tilespmem:$0x5780] =	vst v63  }
0x18: {  	_ =	swait.ge [sflag:s11], $0x2800  }
0x19: {  	[sflag:s11] =	ssyncset.done $0x0  }
0x1a: {  	[sflag:s11] =	ssyncadd.s32 $0xFFFFD800  }
0x1b: {  	s16 =	simm.s32 $0x0;
	[bflag:$0x0] =	sbarrier.arrive $0xFFFF  }
.LBB2_2:
0x1c: {  	p0 =	sne.s32 s16, $0x9E00  }
.Ltmp0:
0x1d: {  	_ = 	snop;
	(pc) =	sbr.rel @p0 .LBB2_2-.Ltmp0, $3  }
0x1e: {  	_ =	sdelay $0x1  }
0x1f: {  	s17 =	sshra.s32 s16, $0x2;
	s16 =	sadd.s32 $0x200, s16  }
0x20: {  	[spmem:s2] =	stream.indirect.scatter.add.f32 [tilespmem:s12], [sflag:$0x1], $0x10, s17, s13, $0xb8;
	[tilespmem:$0x5780] =	vst v63  }
0x21: {  	_ =	swait.ge [sflag:s14], $0x800  }
0x22: {  	s16 =	simm.s32 $0x4F;
	[sflag:s14] =	ssyncset.done $0x0  }
.LBB2_4:
0x23: {  	p0 =	sne.s32 s16, $0x1;
	s16 =	sadd.s32 $0xFFFFFFFF, s16;
	[sflag:s14] =	ssyncadd.s32 $0xFFFFF800  }
.Ltmp1:
0x24: {  	(pc) =	sbr.rel @p0 .LBB2_4-.Ltmp1, $3  }
0x25: {  	_ =	sdelay $0x1  }
0x26: {  	_ =	swait.ge [sflag:s14], $0x800  }
0x27: {  	[sflag:s14] =	ssyncset.done $0x0  }
0x28: {  	s15 =	sadd.s32 $0x1, s15  }
0x29: {  	[sflag:s14] =	ssyncadd.s32 $0xFFFFF800;
	p0 =	sne.s32 s15, s9  }
.Ltmp2:
0x2a: {  	[bflag:$0x0] =	sbarrier.arrive $0xFFFF;
	(pc) =	sbr.rel @p0 .LBB2_1-.Ltmp2, $4  }
0x2b: {  	[hbm:s8], [sflag:s5] =	dma.local [spmem:s10], $0x4F0  }
0x2c: {  	_ =	swait.ge [sflag:s11], $0x4F0  }
0x2d: {  	[sflag:s11] =	ssyncset.done $0x0  }
0x2e: {  	[sflag:s11] =	ssyncadd.s32 $0xFFFFFB10  }
0x2f: {  	_ =	sfence.sel $0x180000  }
0x30: {  	[bflag:$0x0] =	sbarrier.arrive $0xFFFF  }
0x31: {  	p0 =	sne.s32 s0, $0x0;
	_ =	strace $0x90000047  }
0x32: {  	s0 =	sadd.s32 @!p0 $0x100000, s1;
	[bflag:$0x2] =	sbarrier.arrive $0xFFFF  }
0x33: {  	[sflag:s0] =	ssyncadd.tile.s32 @!p0 $0x1;
	_ =	shalt  }
.Lfunc_end2:
_tile_overlayer_lowered:
.L_overlay_start_2:
0x34: {  	(tag) =	ssettag $0x2  }
0x35: {  	s0 =	rddreg [dreg:$0x0];
	s2 =	stileid.u32  }
0x36: {  	s1 =	rddreg [dreg:$0x1];
	p0 =	sne.s32 s2, $0x0  }
0x37: {  	s3 =	rddreg [dreg:$0x2];
	[bflag:$0x3] =	sbarrier.arrive $0xFFFF;
	s2 =	simm.s32 @!p0 $0x1C02  }
0x38: {  	[timem:s3], [sflag:s2] =	dma.local @!p0 [hbm:s0], s1  }
0x39: {  	s0 =	simm.s32 @!p0 $0x2  }
0x3a: {  	_ =	swait.ge @!p0 [sflag:s0], s1  }
0x3b: {  	s1 =	ssub.s32 @!p0 $0x0, s1;
	[sflag:s0] =	ssyncset.done @!p0 $0x0  }
0x3c: {  	[sflag:s0] =	ssyncadd.s32 @!p0 s1  }
0x3d: {  	[bflag:$0x3] =	sbarrier.arrive $0xFFFF  }
0x3e: {  	_ =	shalt  }

</sc_bundles>
